<compile_context>
chip_gen: v7x
topology: tpu7x:2x2x1
jax: 0.10.2.dev20260603
libtpu: 0.0.44.dev20260713+nightly
codegen_flags: <defaults>
</compile_context>

<pallas_src>
import jax
import jax.numpy as jnp
from jax import lax
from jax.experimental import pallas as pl
from jax.experimental.pallas import tpu as pltpu
from jax.experimental.pallas import tpu_sc as plsc

_V = 100000
_K = 100
_S = 200
_NEG = 32
_SPAD = 256
_TPW = 8
_L = 16
_KP = 112


def _sc_body(idx_hbm, cdfhi_hbm, cdflo_hbm, nearby_hbm, freqs_hbm,
             uhi_hbm, ulo_hbm, samples_hbm, probs_hbm,
             idx_v, chi_v, clo_v, nb_v, fq_v, uhi_v, ulo_v,
             samp_v, prob_v, sem0, sem1, sem2, sem3):
    wid = lax.axis_index("s") * 2 + lax.axis_index("c")
    base = wid * _TPW

    pltpu.sync_copy(idx_hbm.at[pl.ds(base, _TPW)], idx_v)
    pltpu.sync_copy(uhi_hbm.at[pl.ds(base, _TPW)], uhi_v)
    pltpu.sync_copy(ulo_hbm.at[pl.ds(base, _TPW)], ulo_v)

    copies = []
    for t in range(_TPW):
        ti = jnp.int32(t)
        ii = idx_v.at[ti]
        copies.append(pltpu.async_copy(cdfhi_hbm.at[ii], chi_v.at[ti], sem0))
        copies.append(pltpu.async_copy(cdflo_hbm.at[ii], clo_v.at[ti], sem1))
        copies.append(pltpu.async_copy(nearby_hbm.at[ii], nb_v.at[ti], sem2))
        copies.append(pltpu.async_copy(freqs_hbm.at[ii], fq_v.at[ti], sem3))
    for c in copies:
        c.wait()

    def per_target(t, carry):
        t_vec = lax.broadcast_in_dim(t, (_L,), ())
        for c in range(_NEG // _L):
            u_hi = uhi_v[t, pl.ds(c * _L, _L)]
            u_lo = ulo_v[t, pl.ds(c * _L, _L)]
            lo = jnp.zeros((_L,), jnp.int32)
            hi = jnp.full((_L,), _K - 1, jnp.int32)
            for _ in range(7):
                active = lo < hi
                mid = (lo + hi) >> 1
                c_hi = plsc.load_gather(chi_v, [t_vec, mid])
                c_lo = plsc.load_gather(clo_v, [t_vec, mid])
                less = (c_hi < u_hi) | ((c_hi == u_hi) & (c_lo < u_lo))
                lo = jnp.where(active & less, mid + 1, lo)
                hi = jnp.where(active & (~less), mid, hi)
            idx = lo
            samp_v[t, pl.ds(c * _L, _L)] = plsc.load_gather(nb_v, [t_vec, idx])
            prob_v[t, pl.ds(c * _L, _L)] = plsc.load_gather(fq_v, [t_vec, idx])
        return carry

    lax.fori_loop(jnp.int32(0), jnp.int32(_TPW), per_target, 0, unroll=False)

    pltpu.sync_copy(samp_v, samples_hbm.at[pl.ds(base, _TPW)])
    pltpu.sync_copy(prob_v, probs_hbm.at[pl.ds(base, _TPW)])


@jax.jit
def _run(idx, cdf_hi, cdf_lo, nearby32, freqs32, u_hi, u_lo):
    mesh = plsc.VectorSubcoreMesh(core_axis_name="c", subcore_axis_name="s")
    f = pl.kernel(
        _sc_body,
        out_type=(
            jax.ShapeDtypeStruct((_SPAD, _NEG), jnp.int32),
            jax.ShapeDtypeStruct((_SPAD, _NEG), jnp.float32),
        ),
        mesh=mesh,
        scratch_types=[
            pltpu.VMEM((_TPW, _KP), jnp.int32),
            pltpu.VMEM((_TPW, _KP), jnp.float32),
            pltpu.VMEM((_TPW, _KP), jnp.float32),
            pltpu.VMEM((_TPW, _KP), jnp.int32),
            pltpu.VMEM((_TPW, _KP), jnp.float32),
            pltpu.VMEM((_TPW, _NEG), jnp.float32),
            pltpu.VMEM((_TPW, _NEG), jnp.float32),
            pltpu.VMEM((_TPW, _NEG), jnp.int32),
            pltpu.VMEM((_TPW, _NEG), jnp.float32),
            pltpu.SemaphoreType.DMA,
            pltpu.SemaphoreType.DMA,
            pltpu.SemaphoreType.DMA,
            pltpu.SemaphoreType.DMA,
        ],
        compiler_params=pltpu.CompilerParams(
            use_tc_tiling_on_sc=False, needs_layout_passes=False),
    )
    return f(idx, cdf_hi, cdf_lo, nearby32, freqs32, u_hi, u_lo)


def kernel(trg_seq, k, user, nearby_locs_finder, pop_freqs, pop_cum_prob):
    cdfT = pop_cum_prob.T
    cdf_hi = cdfT.astype(jnp.float32)
    cdf_lo = lax.bitcast_convert_type(
        lax.bitcast_convert_type(cdfT, jnp.uint64).astype(jnp.uint32),
        jnp.float32)
    nearby32 = lax.bitcast_convert_type(
        lax.bitcast_convert_type(nearby_locs_finder.T, jnp.uint64).astype(jnp.uint32),
        jnp.int32)
    freqs32 = pop_freqs.T.astype(jnp.float32)

    rows = (trg_seq[:, 1] - 1).astype(jnp.int32)
    rows = jnp.concatenate([rows, jnp.zeros((_SPAD - _S,), jnp.int32)])
    j = jnp.arange(_KP, dtype=jnp.int32)
    idx = jnp.where(j[None, :] < _K, j[None, :] * _V + rows[:, None], 0)

    u = jax.random.uniform(jax.random.key(42), (_S, _NEG), dtype=jnp.float64)
    u_hi32 = u.astype(jnp.float32)
    u_lo32 = (u - u_hi32.astype(jnp.float64)).astype(jnp.float32)
    pad = jnp.zeros((_SPAD - _S, _NEG), jnp.float32)
    u_hi = jnp.concatenate([u_hi32, pad])
    u_lo = jnp.concatenate([u_lo32, pad])

    samples_i32, probs = _run(
        idx, cdf_hi.reshape(-1), cdf_lo.reshape(-1),
        nearby32.reshape(-1), freqs32.reshape(-1), u_hi, u_lo)
    return (samples_i32[:_S].astype(jnp.int64), probs[:_S])

# --- scband reference (transcript-rebuilt; emitter-appended) ---
"""Pipeline reference for scband-knnpopularity-sampler-19576460935749 (READ-ONLY COPY).

The authoritative reference and input builder live on the scoring server;
editing this copy changes nothing except your own understanding.
"""

import jax
jax.config.update('jax_enable_x64', True)
import jax.numpy as jnp
import numpy as np

V = 100000   # number of locations (vocab)
K = 100      # num_nearest
S = 200      # trg_seq length
NEG = 32     # k negative samples per target


def setup_inputs(seed: int = 0) -> dict:
    key = jax.random.key(seed)
    k1, k2, k3 = jax.random.split(key, 3)
    # KNN index: for each location, its K nearest location ids (1-indexed like the torch code)
    nearby_locs_finder = jax.random.randint(k1, (V, K), 1, V + 1, dtype=jnp.int64)
    # location visit frequencies -> log(freq + 1)
    loc2freq = jax.random.randint(k2, (V,), 1, 1000, dtype=jnp.int64)
    logfreq = jnp.log(loc2freq.astype(jnp.float64) + 1.0)
    # pop_freqs[i, j] = logfreq[nearby_locs_finder[i, j] - 1]
    pop_freqs = logfreq[nearby_locs_finder - 1]
    pop_probs = pop_freqs / jnp.sum(pop_freqs, axis=1, keepdims=True)
    pop_cum_prob = jnp.cumsum(pop_probs, axis=1)
    # trg_seq: [S, 2] check-ins, column 1 is the 1-indexed target location
    trg_seq = jax.random.randint(k3, (S, 2), 1, V + 1, dtype=jnp.int64)
    return {
        'trg_seq': trg_seq,
        'k': NEG,
        'user': 0,
        'nearby_locs_finder': nearby_locs_finder,
        'pop_freqs': pop_freqs,
        'pop_cum_prob': pop_cum_prob,
    }


def reference(trg_seq, k, user, nearby_locs_finder, pop_freqs, pop_cum_prob):
    # rows of the popularity index addressed by each target check-in location
    rows = trg_seq[:, 1] - 1                        # [S]
    cdf = pop_cum_prob[rows]                        # [S, K] gather
    nearby = nearby_locs_finder[rows]               # [S, K] gather
    freqs = pop_freqs[rows]                         # [S, K] gather
    skey = jax.random.key(42)
    u = jax.random.uniform(skey, (rows.shape[0], NEG), dtype=jnp.float64)
    # bisect_left(pop_cum_prob[row], random(), hi=K-1): search first K-1 entries
    Kn = pop_cum_prob.shape[1]
    idx = jax.vmap(lambda a, v: jnp.searchsorted(a, v, side='left'))(cdf[:, : Kn - 1], u)  # [S, k] in [0, K-1]
    idx = idx + (k - k)
    samples = jnp.take_along_axis(nearby, idx, axis=1)                 # [S, k] int64
    probs = jnp.take_along_axis(freqs, idx, axis=1).astype(jnp.float32)  # [S, k]
    return (samples, probs)

if __name__ == "__main__":
    import jax
    _d = setup_inputs()
    print(jax.jit(kernel)(*tuple(_d.values())))

</pallas_src>

<mosaic_0001>
#map = affine_map<(d0, d1) -> (0, 0)>
#map1 = affine_map<(d0, d1) -> (0)>
module attributes {stable_mosaic.version = 14 : i64} {
  func.func @_sc_body(%arg0: i32, %arg1: i32, %arg2: memref<256x112xi32, #tpu.memory_space<hbm>>, %arg3: memref<10000000xf32, #tpu.memory_space<hbm>>, %arg4: memref<10000000xf32, #tpu.memory_space<hbm>>, %arg5: memref<10000000xi32, #tpu.memory_space<hbm>>, %arg6: memref<10000000xf32, #tpu.memory_space<hbm>>, %arg7: memref<256x32xf32, #tpu.memory_space<hbm>>, %arg8: memref<256x32xf32, #tpu.memory_space<hbm>>, %arg9: memref<256x32xi32, #tpu.memory_space<hbm>>, %arg10: memref<256x32xf32, #tpu.memory_space<hbm>>, %arg11: memref<8x112xi32, #tpu.memory_space<vmem>>, %arg12: memref<8x112xf32, #tpu.memory_space<vmem>>, %arg13: memref<8x112xf32, #tpu.memory_space<vmem>>, %arg14: memref<8x112xi32, #tpu.memory_space<vmem>>, %arg15: memref<8x112xf32, #tpu.memory_space<vmem>>, %arg16: memref<8x32xf32, #tpu.memory_space<vmem>>, %arg17: memref<8x32xf32, #tpu.memory_space<vmem>>, %arg18: memref<8x32xi32, #tpu.memory_space<vmem>>, %arg19: memref<8x32xf32, #tpu.memory_space<vmem>>, %arg20: memref<!tpu.dma_semaphore, #tpu.memory_space<semaphore_mem>>, %arg21: memref<!tpu.dma_semaphore, #tpu.memory_space<semaphore_mem>>, %arg22: memref<!tpu.dma_semaphore, #tpu.memory_space<semaphore_mem>>, %arg23: memref<!tpu.dma_semaphore, #tpu.memory_space<semaphore_mem>>) attributes {dimension_semantics = [#tpu.dimension_semantics<core_parallel>, #tpu.dimension_semantics<subcore_parallel>], iteration_bounds = array<i64: 2, 16>, scalar_prefetch = 0 : i64, scratch_operands = 13 : i64, tpu.core_type = #tpu.core_type<sc_vector_subcore>, window_params = [{transform_indices = #map}, {transform_indices = #map1}, {transform_indices = #map1}, {transform_indices = #map1}, {transform_indices = #map1}, {transform_indices = #map}, {transform_indices = #map}, {transform_indices = #map}, {transform_indices = #map}]} {
    %mul3A = arith.constant 2 : i32
    %mul3A_0 = arith.muli %arg1, %mul3A : i32
    %add3A = arith.addi %mul3A_0, %arg0 : i32
    %mul3A_1 = arith.constant 8 : i32
    %mul3A_2 = arith.muli %add3A, %mul3A_1 : i32
    "tpu.region"() ({
      %run_scoped3A = tpu.sem_alloc : memref<!tpu.dma_semaphore, #tpu.memory_space<semaphore_mem>>
      %dma_start3A_651 = arith.constant 0 : i32
      %dma_start3A_652 = tpu.memref_slice %arg2[%mul3A_2, %dma_start3A_651] : memref<256x112xi32, #tpu.memory_space<hbm>> -> memref<8x112xi32, #tpu.memory_space<hbm>>
      %dma_start3A_653 = arith.constant 0 : i32
      %dma_start3A_654 = tpu.memref_slice %arg2[%mul3A_2, %dma_start3A_653] : memref<256x112xi32, #tpu.memory_space<hbm>> -> memref<8x112xi32, #tpu.memory_space<hbm>>
      tpu.enqueue_dma source(%dma_start3A_654 : memref<8x112xi32, #tpu.memory_space<hbm>>) target(%arg11 : memref<8x112xi32, #tpu.memory_space<vmem>>) target_semaphore(%run_scoped3A : memref<!tpu.dma_semaphore, #tpu.memory_space<semaphore_mem>>)
      %dma_wait3A_655 = arith.constant 0 : i32
      %dma_wait3A_656 = tpu.memref_slice %arg2[%mul3A_2, %dma_wait3A_655] : memref<256x112xi32, #tpu.memory_space<hbm>> -> memref<8x112xi32, #tpu.memory_space<hbm>>
      %dma_wait3A_657 = arith.constant 0 : i32
      %dma_wait3A_658 = tpu.memref_slice %arg2[%mul3A_2, %dma_wait3A_657] : memref<256x112xi32, #tpu.memory_space<hbm>> -> memref<8x112xi32, #tpu.memory_space<hbm>>
      tpu.wait_dma2 semaphore(%run_scoped3A : memref<!tpu.dma_semaphore, #tpu.memory_space<semaphore_mem>>) src(%dma_wait3A_658 : memref<8x112xi32, #tpu.memory_space<hbm>>) dst(%arg11 : memref<8x112xi32, #tpu.memory_space<vmem>>)
      tpu.yield
    }) : () -> ()
    "tpu.region"() ({
      %run_scoped3A = tpu.sem_alloc : memref<!tpu.dma_semaphore, #tpu.memory_space<semaphore_mem>>
      %dma_start3A_651 = arith.constant 0 : i32
      %dma_start3A_652 = tpu.memref_slice %arg7[%mul3A_2, %dma_start3A_651] : memref<256x32xf32, #tpu.memory_space<hbm>> -> memref<8x32xf32, #tpu.memory_space<hbm>>
      %dma_start3A_653 = arith.constant 0 : i32
      %dma_start3A_654 = tpu.memref_slice %arg7[%mul3A_2, %dma_start3A_653] : memref<256x32xf32, #tpu.memory_space<hbm>> -> memref<8x32xf32, #tpu.memory_space<hbm>>
      tpu.enqueue_dma source(%dma_start3A_654 : memref<8x32xf32, #tpu.memory_space<hbm>>) target(%arg16 : memref<8x32xf32, #tpu.memory_space<vmem>>) target_semaphore(%run_scoped3A : memref<!tpu.dma_semaphore, #tpu.memory_space<semaphore_mem>>)
      %dma_wait3A_655 = arith.constant 0 : i32
      %dma_wait3A_656 = tpu.memref_slice %arg7[%mul3A_2, %dma_wait3A_655] : memref<256x32xf32, #tpu.memory_space<hbm>> -> memref<8x32xf32, #tpu.memory_space<hbm>>
      %dma_wait3A_657 = arith.constant 0 : i32
      %dma_wait3A_658 = tpu.memref_slice %arg7[%mul3A_2, %dma_wait3A_657] : memref<256x32xf32, #tpu.memory_space<hbm>> -> memref<8x32xf32, #tpu.memory_space<hbm>>
      tpu.wait_dma2 semaphore(%run_scoped3A : memref<!tpu.dma_semaphore, #tpu.memory_space<semaphore_mem>>) src(%dma_wait3A_658 : memref<8x32xf32, #tpu.memory_space<hbm>>) dst(%arg16 : memref<8x32xf32, #tpu.memory_space<vmem>>)
      tpu.yield
    }) : () -> ()
    "tpu.region"() ({
      %run_scoped3A = tpu.sem_alloc : memref<!tpu.dma_semaphore, #tpu.memory_space<semaphore_mem>>
      %dma_start3A_651 = arith.constant 0 : i32
      %dma_start3A_652 = tpu.memref_slice %arg8[%mul3A_2, %dma_start3A_651] : memref<256x32xf32, #tpu.memory_space<hbm>> -> memref<8x32xf32, #tpu.memory_space<hbm>>
      %dma_start3A_653 = arith.constant 0 : i32
      %dma_start3A_654 = tpu.memref_slice %arg8[%mul3A_2, %dma_start3A_653] : memref<256x32xf32, #tpu.memory_space<hbm>> -> memref<8x32xf32, #tpu.memory_space<hbm>>
      tpu.enqueue_dma source(%dma_start3A_654 : memref<8x32xf32, #tpu.memory_space<hbm>>) target(%arg17 : memref<8x32xf32, #tpu.memory_space<vmem>>) target_semaphore(%run_scoped3A : memref<!tpu.dma_semaphore, #tpu.memory_space<semaphore_mem>>)
      %dma_wait3A_655 = arith.constant 0 : i32
      %dma_wait3A_656 = tpu.memref_slice %arg8[%mul3A_2, %dma_wait3A_655] : memref<256x32xf32, #tpu.memory_space<hbm>> -> memref<8x32xf32, #tpu.memory_space<hbm>>
      %dma_wait3A_657 = arith.constant 0 : i32
      %dma_wait3A_658 = tpu.memref_slice %arg8[%mul3A_2, %dma_wait3A_657] : memref<256x32xf32, #tpu.memory_space<hbm>> -> memref<8x32xf32, #tpu.memory_space<hbm>>
      tpu.wait_dma2 semaphore(%run_scoped3A : memref<!tpu.dma_semaphore, #tpu.memory_space<semaphore_mem>>) src(%dma_wait3A_658 : memref<8x32xf32, #tpu.memory_space<hbm>>) dst(%arg17 : memref<8x32xf32, #tpu.memory_space<vmem>>)
      tpu.yield
    }) : () -> ()
    %dma_start3A = arith.constant 0 : i32
    %dma_start3A_3 = arith.constant 0 : i32
    %dma_start3A_4 = arith.constant 0 : i32
    %dma_start3A_5 = tpu.memref_slice %arg12[%dma_start3A_3, %dma_start3A_4] : memref<8x112xf32, #tpu.memory_space<vmem>> -> memref<1x112xf32, #tpu.memory_space<vmem>>
    %dma_start3A_6 = tpu.memref_squeeze %dma_start3A_5 : memref<1x112xf32, #tpu.memory_space<vmem>> -> memref<112xf32, #tpu.memory_space<vmem>>
    %dma_start3A_7 = arith.constant 0 : i32
    %dma_start3A_8 = tpu.memref_slice %arg11[%dma_start3A, %dma_start3A_7] : memref<8x112xi32, #tpu.memory_space<vmem>> -> memref<1x112xi32, #tpu.memory_space<vmem>>
    %dma_start3A_9 = tpu.memref_squeeze %dma_start3A_8 : memref<1x112xi32, #tpu.memory_space<vmem>> -> memref<112xi32, #tpu.memory_space<vmem>>
    %dma_start3A_10 = arith.constant 0 : i32
    %dma_start3A_11 = tpu.memref_slice %arg3[%dma_start3A_10] : memref<10000000xf32, #tpu.memory_space<hbm>> -> memref<10000000xf32, #tpu.memory_space<hbm>>
    tpu.enqueue_indirect_dma source(%dma_start3A_11 : memref<10000000xf32, #tpu.memory_space<hbm>>) target(%dma_start3A_6 : memref<112xf32, #tpu.memory_space<vmem>>) offsets(%dma_start3A_9 : memref<112xi32, #tpu.memory_space<vmem>>) semaphore(%arg20 : memref<!tpu.dma_semaphore, #tpu.memory_space<semaphore_mem>>)
    %dma_start3A_12 = arith.constant 0 : i32
    %dma_start3A_13 = arith.constant 0 : i32
    %dma_start3A_14 = arith.constant 0 : i32
    %dma_start3A_15 = tpu.memref_slice %arg13[%dma_start3A_13, %dma_start3A_14] : memref<8x112xf32, #tpu.memory_space<vmem>> -> memref<1x112xf32, #tpu.memory_space<vmem>>
    %dma_start3A_16 = tpu.memref_squeeze %dma_start3A_15 : memref<1x112xf32, #tpu.memory_space<vmem>> -> memref<112xf32, #tpu.memory_space<vmem>>
    %dma_start3A_17 = arith.constant 0 : i32
    %dma_start3A_18 = tpu.memref_slice %arg11[%dma_start3A_12, %dma_start3A_17] : memref<8x112xi32, #tpu.memory_space<vmem>> -> memref<1x112xi32, #tpu.memory_space<vmem>>
    %dma_start3A_19 = tpu.memref_squeeze %dma_start3A_18 : memref<1x112xi32, #tpu.memory_space<vmem>> -> memref<112xi32, #tpu.memory_space<vmem>>
    %dma_start3A_20 = arith.constant 0 : i32
    %dma_start3A_21 = tpu.memref_slice %arg4[%dma_start3A_20] : memref<10000000xf32, #tpu.memory_space<hbm>> -> memref<10000000xf32, #tpu.memory_space<hbm>>
    tpu.enqueue_indirect_dma source(%dma_start3A_21 : memref<10000000xf32, #tpu.memory_space<hbm>>) target(%dma_start3A_16 : memref<112xf32, #tpu.memory_space<vmem>>) offsets(%dma_start3A_19 : memref<112xi32, #tpu.memory_space<vmem>>) semaphore(%arg21 : memref<!tpu.dma_semaphore, #tpu.memory_space<semaphore_mem>>)
    %dma_start3A_22 = arith.constant 0 : i32
    %dma_start3A_23 = arith.constant 0 : i32
    %dma_start3A_24 = arith.constant 0 : i32
    %dma_start3A_25 = tpu.memref_slice %arg14[%dma_start3A_23, %dma_start3A_24] : memref<8x112xi32, #tpu.memory_space<vmem>> -> memref<1x112xi32, #tpu.memory_space<vmem>>
    %dma_start3A_26 = tpu.memref_squeeze %dma_start3A_25 : memref<1x112xi32, #tpu.memory_space<vmem>> -> memref<112xi32, #tpu.memory_space<vmem>>
    %dma_start3A_27 = arith.constant 0 : i32
    %dma_start3A_28 = tpu.memref_slice %arg11[%dma_start3A_22, %dma_start3A_27] : memref<8x112xi32, #tpu.memory_space<vmem>> -> memref<1x112xi32, #tpu.memory_space<vmem>>
    %dma_start3A_29 = tpu.memref_squeeze %dma_start3A_28 : memref<1x112xi32, #tpu.memory_space<vmem>> -> memref<112xi32, #tpu.memory_space<vmem>>
    %dma_start3A_30 = arith.constant 0 : i32
    %dma_start3A_31 = tpu.memref_slice %arg5[%dma_start3A_30] : memref<10000000xi32, #tpu.memory_space<hbm>> -> memref<10000000xi32, #tpu.memory_space<hbm>>
    tpu.enqueue_indirect_dma source(%dma_start3A_31 : memref<10000000xi32, #tpu.memory_space<hbm>>) target(%dma_start3A_26 : memref<112xi32, #tpu.memory_space<vmem>>) offsets(%dma_start3A_29 : memref<112xi32, #tpu.memory_space<vmem>>) semaphore(%arg22 : memref<!tpu.dma_semaphore, #tpu.memory_space<semaphore_mem>>)
    %dma_start3A_32 = arith.constant 0 : i32
    %dma_start3A_33 = arith.constant 0 : i32
    %dma_start3A_34 = arith.constant 0 : i32
    %dma_start3A_35 = tpu.memref_slice %arg15[%dma_start3A_33, %dma_start3A_34] : memref<8x112xf32, #tpu.memory_space<vmem>> -> memref<1x112xf32, #tpu.memory_space<vmem>>
    %dma_start3A_36 = tpu.memref_squeeze %dma_start3A_35 : memref<1x112xf32, #tpu.memory_space<vmem>> -> memref<112xf32, #tpu.memory_space<vmem>>
    %dma_start3A_37 = arith.constant 0 : i32
    %dma_start3A_38 = tpu.memref_slice %arg11[%dma_start3A_32, %dma_start3A_37] : memref<8x112xi32, #tpu.memory_space<vmem>> -> memref<1x112xi32, #tpu.memory_space<vmem>>
    %dma_start3A_39 = tpu.memref_squeeze %dma_start3A_38 : memref<1x112xi32, #tpu.memory_space<vmem>> -> memref<112xi32, #tpu.memory_space<vmem>>
    %dma_start3A_40 = arith.constant 0 : i32
    %dma_start3A_41 = tpu.memref_slice %arg6[%dma_start3A_40] : memref<10000000xf32, #tpu.memory_space<hbm>> -> memref<10000000xf32, #tpu.memory_space<hbm>>
    tpu.enqueue_indirect_dma source(%dma_start3A_41 : memref<10000000xf32, #tpu.memory_space<hbm>>) target(%dma_start3A_36 : memref<112xf32, #tpu.memory_space<vmem>>) offsets(%dma_start3A_39 : memref<112xi32, #tpu.memory_space<vmem>>) semaphore(%arg23 : memref<!tpu.dma_semaphore, #tpu.memory_space<semaphore_mem>>)
    %dma_start3A_42 = arith.constant 1 : i32
    %dma_start3A_43 = arith.constant 1 : i32
    %dma_start3A_44 = arith.constant 0 : i32
    %dma_start3A_45 = tpu.memref_slice %arg12[%dma_start3A_43, %dma_start3A_44] : memref<8x112xf32, #tpu.memory_space<vmem>> -> memref<1x112xf32, #tpu.memory_space<vmem>>
    %dma_start3A_46 = tpu.memref_squeeze %dma_start3A_45 : memref<1x112xf32, #tpu.memory_space<vmem>> -> memref<112xf32, #tpu.memory_space<vmem>>
    %dma_start3A_47 = arith.constant 0 : i32
    %dma_start3A_48 = tpu.memref_slice %arg11[%dma_start3A_42, %dma_start3A_47] : memref<8x112xi32, #tpu.memory_space<vmem>> -> memref<1x112xi32, #tpu.memory_space<vmem>>
    %dma_start3A_49 = tpu.memref_squeeze %dma_start3A_48 : memref<1x112xi32, #tpu.memory_space<vmem>> -> memref<112xi32, #tpu.memory_space<vmem>>
    %dma_start3A_50 = arith.constant 0 : i32
    %dma_start3A_51 = tpu.memref_slice %arg3[%dma_start3A_50] : memref<10000000xf32, #tpu.memory_space<hbm>> -> memref<10000000xf32, #tpu.memory_space<hbm>>
    tpu.enqueue_indirect_dma source(%dma_start3A_51 : memref<10000000xf32, #tpu.memory_space<hbm>>) target(%dma_start3A_46 : memref<112xf32, #tpu.memory_space<vmem>>) offsets(%dma_start3A_49 : memref<112xi32, #tpu.memory_space<vmem>>) semaphore(%arg20 : memref<!tpu.dma_semaphore, #tpu.memory_space<semaphore_mem>>)
    %dma_start3A_52 = arith.constant 1 : i32
    %dma_start3A_53 = arith.constant 1 : i32
    %dma_start3A_54 = arith.constant 0 : i32
    %dma_start3A_55 = tpu.memref_slice %arg13[%dma_start3A_53, %dma_start3A_54] : memref<8x112xf32, #tpu.memory_space<vmem>> -> memref<1x112xf32, #tpu.memory_space<vmem>>
    %dma_start3A_56 = tpu.memref_squeeze %dma_start3A_55 : memref<1x112xf32, #tpu.memory_space<vmem>> -> memref<112xf32, #tpu.memory_space<vmem>>
    %dma_start3A_57 = arith.constant 0 : i32
    %dma_start3A_58 = tpu.memref_slice %arg11[%dma_start3A_52, %dma_start3A_57] : memref<8x112xi32, #tpu.memory_space<vmem>> -> memref<1x112xi32, #tpu.memory_space<vmem>>
    %dma_start3A_59 = tpu.memref_squeeze %dma_start3A_58 : memref<1x112xi32, #tpu.memory_space<vmem>> -> memref<112xi32, #tpu.memory_space<vmem>>
    %dma_start3A_60 = arith.constant 0 : i32
    %dma_start3A_61 = tpu.memref_slice %arg4[%dma_start3A_60] : memref<10000000xf32, #tpu.memory_space<hbm>> -> memref<10000000xf32, #tpu.memory_space<hbm>>
    tpu.enqueue_indirect_dma source(%dma_start3A_61 : memref<10000000xf32, #tpu.memory_space<hbm>>) target(%dma_start3A_56 : memref<112xf32, #tpu.memory_space<vmem>>) offsets(%dma_start3A_59 : memref<112xi32, #tpu.memory_space<vmem>>) semaphore(%arg21 : memref<!tpu.dma_semaphore, #tpu.memory_space<semaphore_mem>>)
    %dma_start3A_62 = arith.constant 1 : i32
    %dma_start3A_63 = arith.constant 1 : i32
    %dma_start3A_64 = arith.constant 0 : i32
    %dma_start3A_65 = tpu.memref_slice %arg14[%dma_start3A_63, %dma_start3A_64] : memref<8x112xi32, #tpu.memory_space<vmem>> -> memref<1x112xi32, #tpu.memory_space<vmem>>
    %dma_start3A_66 = tpu.memref_squeeze %dma_start3A_65 : memref<1x112xi32, #tpu.memory_space<vmem>> -> memref<112xi32, #tpu.memory_space<vmem>>
    %dma_start3A_67 = arith.constant 0 : i32
    %dma_start3A_68 = tpu.memref_slice %arg11[%dma_start3A_62, %dma_start3A_67] : memref<8x112xi32, #tpu.memory_space<vmem>> -> memref<1x112xi32, #tpu.memory_space<vmem>>
    %dma_start3A_69 = tpu.memref_squeeze %dma_start3A_68 : memref<1x112xi32, #tpu.memory_space<vmem>> -> memref<112xi32, #tpu.memory_space<vmem>>
    %dma_start3A_70 = arith.constant 0 : i32
    %dma_start3A_71 = tpu.memref_slice %arg5[%dma_start3A_70] : memref<10000000xi32, #tpu.memory_space<hbm>> -> memref<10000000xi32, #tpu.memory_space<hbm>>
    tpu.enqueue_indirect_dma source(%dma_start3A_71 : memref<10000000xi32, #tpu.memory_space<hbm>>) target(%dma_start3A_66 : memref<112xi32, #tpu.memory_space<vmem>>) offsets(%dma_start3A_69 : memref<112xi32, #tpu.memory_space<vmem>>) semaphore(%arg22 : memref<!tpu.dma_semaphore, #tpu.memory_space<semaphore_mem>>)
    %dma_start3A_72 = arith.constant 1 : i32
    %dma_start3A_73 = arith.constant 1 : i32
    %dma_start3A_74 = arith.constant 0 : i32
    %dma_start3A_75 = tpu.memref_slice %arg15[%dma_start3A_73, %dma_start3A_74] : memref<8x112xf32, #tpu.memory_space<vmem>> -> memref<1x112xf32, #tpu.memory_space<vmem>>
    %dma_start3A_76 = tpu.memref_squeeze %dma_start3A_75 : memref<1x112xf32, #tpu.memory_space<vmem>> -> memref<112xf32, #tpu.memory_space<vmem>>
    %dma_start3A_77 = arith.constant 0 : i32
    %dma_start3A_78 = tpu.memref_slice %arg11[%dma_start3A_72, %dma_start3A_77] : memref<8x112xi32, #tpu.memory_space<vmem>> -> memref<1x112xi32, #tpu.memory_space<vmem>>
    %dma_start3A_79 = tpu.memref_squeeze %dma_start3A_78 : memref<1x112xi32, #tpu.memory_space<vmem>> -> memref<112xi32, #tpu.memory_space<vmem>>
    %dma_start3A_80 = arith.constant 0 : i32
    %dma_start3A_81 = tpu.memref_slice %arg6[%dma_start3A_80] : memref<10000000xf32, #tpu.memory_space<hbm>> -> memref<10000000xf32, #tpu.memory_space<hbm>>
    tpu.enqueue_indirect_dma source(%dma_start3A_81 : memref<10000000xf32, #tpu.memory_space<hbm>>) target(%dma_start3A_76 : memref<112xf32, #tpu.memory_space<vmem>>) offsets(%dma_start3A_79 : memref<112xi32, #tpu.memory_space<vmem>>) semaphore(%arg23 : memref<!tpu.dma_semaphore, #tpu.memory_space<semaphore_mem>>)
    %dma_start3A_82 = arith.constant 2 : i32
    %dma_start3A_83 = arith.constant 2 : i32
    %dma_start3A_84 = arith.constant 0 : i32
    %dma_start3A_85 = tpu.memref_slice %arg12[%dma_start3A_83, %dma_start3A_84] : memref<8x112xf32, #tpu.memory_space<vmem>> -> memref<1x112xf32, #tpu.memory_space<vmem>>
    %dma_start3A_86 = tpu.memref_squeeze %dma_start3A_85 : memref<1x112xf32, #tpu.memory_space<vmem>> -> memref<112xf32, #tpu.memory_space<vmem>>
    %dma_start3A_87 = arith.constant 0 : i32
    %dma_start3A_88 = tpu.memref_slice %arg11[%dma_start3A_82, %dma_start3A_87] : memref<8x112xi32, #tpu.memory_space<vmem>> -> memref<1x112xi32, #tpu.memory_space<vmem>>
    %dma_start3A_89 = tpu.memref_squeeze %dma_start3A_88 : memref<1x112xi32, #tpu.memory_space<vmem>> -> memref<112xi32, #tpu.memory_space<vmem>>
    %dma_start3A_90 = arith.constant 0 : i32
    %dma_start3A_91 = tpu.memref_slice %arg3[%dma_start3A_90] : memref<10000000xf32, #tpu.memory_space<hbm>> -> memref<10000000xf32, #tpu.memory_space<hbm>>
    tpu.enqueue_indirect_dma source(%dma_start3A_91 : memref<10000000xf32, #tpu.memory_space<hbm>>) target(%dma_start3A_86 : memref<112xf32, #tpu.memory_space<vmem>>) offsets(%dma_start3A_89 : memref<112xi32, #tpu.memory_space<vmem>>) semaphore(%arg20 : memref<!tpu.dma_semaphore, #tpu.memory_space<semaphore_mem>>)
    %dma_start3A_92 = arith.constant 2 : i32
    %dma_start3A_93 = arith.constant 2 : i32
    %dma_start3A_94 = arith.constant 0 : i32
    %dma_start3A_95 = tpu.memref_slice %arg13[%dma_start3A_93, %dma_start3A_94] : memref<8x112xf32, #tpu.memory_space<vmem>> -> memref<1x112xf32, #tpu.memory_space<vmem>>
    %dma_start3A_96 = tpu.memref_squeeze %dma_start3A_95 : memref<1x112xf32, #tpu.memory_space<vmem>> -> memref<112xf32, #tpu.memory_space<vmem>>
    %dma_start3A_97 = arith.constant 0 : i32
    %dma_start3A_98 = tpu.memref_slice %arg11[%dma_start3A_92, %dma_start3A_97] : memref<8x112xi32, #tpu.memory_space<vmem>> -> memref<1x112xi32, #tpu.memory_space<vmem>>
    %dma_start3A_99 = tpu.memref_squeeze %dma_start3A_98 : memref<1x112xi32, #tpu.memory_space<vmem>> -> memref<112xi32, #tpu.memory_space<vmem>>
    %dma_start3A_100 = arith.constant 0 : i32
    %dma_start3A_101 = tpu.memref_slice %arg4[%dma_start3A_100] : memref<10000000xf32, #tpu.memory_space<hbm>> -> memref<10000000xf32, #tpu.memory_space<hbm>>
    tpu.enqueue_indirect_dma source(%dma_start3A_101 : memref<10000000xf32, #tpu.memory_space<hbm>>) target(%dma_start3A_96 : memref<112xf32, #tpu.memory_space<vmem>>) offsets(%dma_start3A_99 : memref<112xi32, #tpu.memory_space<vmem>>) semaphore(%arg21 : memref<!tpu.dma_semaphore, #tpu.memory_space<semaphore_mem>>)
    %dma_start3A_102 = arith.constant 2 : i32
    %dma_start3A_103 = arith.constant 2 : i32
    %dma_start3A_104 = arith.constant 0 : i32
    %dma_start3A_105 = tpu.memref_slice %arg14[%dma_start3A_103, %dma_start3A_104] : memref<8x112xi32, #tpu.memory_space<vmem>> -> memref<1x112xi32, #tpu.memory_space<vmem>>
    %dma_start3A_106 = tpu.memref_squeeze %dma_start3A_105 : memref<1x112xi32, #tpu.memory_space<vmem>> -> memref<112xi32, #tpu.memory_space<vmem>>
    %dma_start3A_107 = arith.constant 0 : i32
    %dma_start3A_108 = tpu.memref_slice %arg11[%dma_start3A_102, %dma_start3A_107] : memref<8x112xi32, #tpu.memory_space<vmem>> -> memref<1x112xi32, #tpu.memory_space<vmem>>
    %dma_start3A_109 = tpu.memref_squeeze %dma_start3A_108 : memref<1x112xi32, #tpu.memory_space<vmem>> -> memref<112xi32, #tpu.memory_space<vmem>>
    %dma_start3A_110 = arith.constant 0 : i32
    %dma_start3A_111 = tpu.memref_slice %arg5[%dma_start3A_110] : memref<10000000xi32, #tpu.memory_space<hbm>> -> memref<10000000xi32, #tpu.memory_space<hbm>>
    tpu.enqueue_indirect_dma source(%dma_start3A_111 : memref<10000000xi32, #tpu.memory_space<hbm>>) target(%dma_start3A_106 : memref<112xi32, #tpu.memory_space<vmem>>) offsets(%dma_start3A_109 : memref<112xi32, #tpu.memory_space<vmem>>) semaphore(%arg22 : memref<!tpu.dma_semaphore, #tpu.memory_space<semaphore_mem>>)
    %dma_start3A_112 = arith.constant 2 : i32
    %dma_start3A_113 = arith.constant 2 : i32
    %dma_start3A_114 = arith.constant 0 : i32
    %dma_start3A_115 = tpu.memref_slice %arg15[%dma_start3A_113, %dma_start3A_114] : memref<8x112xf32, #tpu.memory_space<vmem>> -> memref<1x112xf32, #tpu.memory_space<vmem>>
    %dma_start3A_116 = tpu.memref_squeeze %dma_start3A_115 : memref<1x112xf32, #tpu.memory_space<vmem>> -> memref<112xf32, #tpu.memory_space<vmem>>
    %dma_start3A_117 = arith.constant 0 : i32
    %dma_start3A_118 = tpu.memref_slice %arg11[%dma_start3A_112, %dma_start3A_117] : memref<8x112xi32, #tpu.memory_space<vmem>> -> memref<1x112xi32, #tpu.memory_space<vmem>>
    %dma_start3A_119 = tpu.memref_squeeze %dma_start3A_118 : memref<1x112xi32, #tpu.memory_space<vmem>> -> memref<112xi32, #tpu.memory_space<vmem>>
    %dma_start3A_120 = arith.constant 0 : i32
    %dma_start3A_121 = tpu.memref_slice %arg6[%dma_start3A_120] : memref<10000000xf32, #tpu.memory_space<hbm>> -> memref<10000000xf32, #tpu.memory_space<hbm>>
    tpu.enqueue_indirect_dma source(%dma_start3A_121 : memref<10000000xf32, #tpu.memory_space<hbm>>) target(%dma_start3A_116 : memref<112xf32, #tpu.memory_space<vmem>>) offsets(%dma_start3A_119 : memref<112xi32, #tpu.memory_space<vmem>>) semaphore(%arg23 : memref<!tpu.dma_semaphore, #tpu.memory_space<semaphore_mem>>)
    %dma_start3A_122 = arith.constant 3 : i32
    %dma_start3A_123 = arith.constant 3 : i32
    %dma_start3A_124 = arith.constant 0 : i32
    %dma_start3A_125 = tpu.memref_slice %arg12[%dma_start3A_123, %dma_start3A_124] : memref<8x112xf32, #tpu.memory_space<vmem>> -> memref<1x112xf32, #tpu.memory_space<vmem>>
    %dma_start3A_126 = tpu.memref_squeeze %dma_start3A_125 : memref<1x112xf32, #tpu.memory_space<vmem>> -> memref<112xf32, #tpu.memory_space<vmem>>
    %dma_start3A_127 = arith.constant 0 : i32
    %dma_start3A_128 = tpu.memref_slice %arg11[%dma_start3A_122, %dma_start3A_127] : memref<8x112xi32, #tpu.memory_space<vmem>> -> memref<1x112xi32, #tpu.memory_space<vmem>>
    %dma_start3A_129 = tpu.memref_squeeze %dma_start3A_128 : memref<1x112xi32, #tpu.memory_space<vmem>> -> memref<112xi32, #tpu.memory_space<vmem>>
    %dma_start3A_130 = arith.constant 0 : i32
    %dma_start3A_131 = tpu.memref_slice %arg3[%dma_start3A_130] : memref<10000000xf32, #tpu.memory_space<hbm>> -> memref<10000000xf32, #tpu.memory_space<hbm>>
    tpu.enqueue_indirect_dma source(%dma_start3A_131 : memref<10000000xf32, #tpu.memory_space<hbm>>) target(%dma_start3A_126 : memref<112xf32, #tpu.memory_space<vmem>>) offsets(%dma_start3A_129 : memref<112xi32, #tpu.memory_space<vmem>>) semaphore(%arg20 : memref<!tpu.dma_semaphore, #tpu.memory_space<semaphore_mem>>)
    %dma_start3A_132 = arith.constant 3 : i32
    %dma_start3A_133 = arith.constant 3 : i32
    %dma_start3A_134 = arith.constant 0 : i32
    %dma_start3A_135 = tpu.memref_slice %arg13[%dma_start3A_133, %dma_start3A_134] : memref<8x112xf32, #tpu.memory_space<vmem>> -> memref<1x112xf32, #tpu.memory_space<vmem>>
    %dma_start3A_136 = tpu.memref_squeeze %dma_start3A_135 : memref<1x112xf32, #tpu.memory_space<vmem>> -> memref<112xf32, #tpu.memory_space<vmem>>
    %dma_start3A_137 = arith.constant 0 : i32
    %dma_start3A_138 = tpu.memref_slice %arg11[%dma_start3A_132, %dma_start3A_137] : memref<8x112xi32, #tpu.memory_space<vmem>> -> memref<1x112xi32, #tpu.memory_space<vmem>>
    %dma_start3A_139 = tpu.memref_squeeze %dma_start3A_138 : memref<1x112xi32, #tpu.memory_space<vmem>> -> memref<112xi32, #tpu.memory_space<vmem>>
    %dma_start3A_140 = arith.constant 0 : i32
    %dma_start3A_141 = tpu.memref_slice %arg4[%dma_start3A_140] : memref<10000000xf32, #tpu.memory_space<hbm>> -> memref<10000000xf32, #tpu.memory_space<hbm>>
    tpu.enqueue_indirect_dma source(%dma_start3A_141 : memref<10000000xf32, #tpu.memory_space<hbm>>) target(%dma_start3A_136 : memref<112xf32, #tpu.memory_space<vmem>>) offsets(%dma_start3A_139 : memref<112xi32, #tpu.memory_space<vmem>>) semaphore(%arg21 : memref<!tpu.dma_semaphore, #tpu.memory_space<semaphore_mem>>)
    %dma_start3A_142 = arith.constant 3 : i32
    %dma_start3A_143 = arith.constant 3 : i32
    %dma_start3A_144 = arith.constant 0 : i32
    %dma_start3A_145 = tpu.memref_slice %arg14[%dma_start3A_143, %dma_start3A_144] : memref<8x112xi32, #tpu.memory_space<vmem>> -> memref<1x112xi32, #tpu.memory_space<vmem>>
    %dma_start3A_146 = tpu.memref_squeeze %dma_start3A_145 : memref<1x112xi32, #tpu.memory_space<vmem>> -> memref<112xi32, #tpu.memory_space<vmem>>
    %dma_start3A_147 = arith.constant 0 : i32
    %dma_start3A_148 = tpu.memref_slice %arg11[%dma_start3A_142, %dma_start3A_147] : memref<8x112xi32, #tpu.memory_space<vmem>> -> memref<1x112xi32, #tpu.memory_space<vmem>>
    %dma_start3A_149 = tpu.memref_squeeze %dma_start3A_148 : memref<1x112xi32, #tpu.memory_space<vmem>> -> memref<112xi32, #tpu.memory_space<vmem>>
    %dma_start3A_150 = arith.constant 0 : i32
    %dma_start3A_151 = tpu.memref_slice %arg5[%dma_start3A_150] : memref<10000000xi32, #tpu.memory_space<hbm>> -> memref<10000000xi32, #tpu.memory_space<hbm>>
    tpu.enqueue_indirect_dma source(%dma_start3A_151 : memref<10000000xi32, #tpu.memory_space<hbm>>) target(%dma_start3A_146 : memref<112xi32, #tpu.memory_space<vmem>>) offsets(%dma_start3A_149 : memref<112xi32, #tpu.memory_space<vmem>>) semaphore(%arg22 : memref<!tpu.dma_semaphore, #tpu.memory_space<semaphore_mem>>)
    %dma_start3A_152 = arith.constant 3 : i32
    %dma_start3A_153 = arith.constant 3 : i32
    %dma_start3A_154 = arith.constant 0 : i32
    %dma_start3A_155 = tpu.memref_slice %arg15[%dma_start3A_153, %dma_start3A_154] : memref<8x112xf32, #tpu.memory_space<vmem>> -> memref<1x112xf32, #tpu.memory_space<vmem>>
    %dma_start3A_156 = tpu.memref_squeeze %dma_start3A_155 : memref<1x112xf32, #tpu.memory_space<vmem>> -> memref<112xf32, #tpu.memory_space<vmem>>
    %dma_start3A_157 = arith.constant 0 : i32
    %dma_start3A_158 = tpu.memref_slice %arg11[%dma_start3A_152, %dma_start3A_157] : memref<8x112xi32, #tpu.memory_space<vmem>> -> memref<1x112xi32, #tpu.memory_space<vmem>>
    %dma_start3A_159 = tpu.memref_squeeze %dma_start3A_158 : memref<1x112xi32, #tpu.memory_space<vmem>> -> memref<112xi32, #tpu.memory_space<vmem>>
    %dma_start3A_160 = arith.constant 0 : i32
    %dma_start3A_161 = tpu.memref_slice %arg6[%dma_start3A_160] : memref<10000000xf32, #tpu.memory_space<hbm>> -> memref<10000000xf32, #tpu.memory_space<hbm>>
    tpu.enqueue_indirect_dma source(%dma_start3A_161 : memref<10000000xf32, #tpu.memory_space<hbm>>) target(%dma_start3A_156 : memref<112xf32, #tpu.memory_space<vmem>>) offsets(%dma_start3A_159 : memref<112xi32, #tpu.memory_space<vmem>>) semaphore(%arg23 : memref<!tpu.dma_semaphore, #tpu.memory_space<semaphore_mem>>)
    %dma_start3A_162 = arith.constant 4 : i32
    %dma_start3A_163 = arith.constant 4 : i32
    %dma_start3A_164 = arith.constant 0 : i32
    %dma_start3A_165 = tpu.memref_slice %arg12[%dma_start3A_163, %dma_start3A_164] : memref<8x112xf32, #tpu.memory_space<vmem>> -> memref<1x112xf32, #tpu.memory_space<vmem>>
    %dma_start3A_166 = tpu.memref_squeeze %dma_start3A_165 : memref<1x112xf32, #tpu.memory_space<vmem>> -> memref<112xf32, #tpu.memory_space<vmem>>
    %dma_start3A_167 = arith.constant 0 : i32
    %dma_start3A_168 = tpu.memref_slice %arg11[%dma_start3A_162, %dma_start3A_167] : memref<8x112xi32, #tpu.memory_space<vmem>> -> memref<1x112xi32, #tpu.memory_space<vmem>>
    %dma_start3A_169 = tpu.memref_squeeze %dma_start3A_168 : memref<1x112xi32, #tpu.memory_space<vmem>> -> memref<112xi32, #tpu.memory_space<vmem>>
    %dma_start3A_170 = arith.constant 0 : i32
    %dma_start3A_171 = tpu.memref_slice %arg3[%dma_start3A_170] : memref<10000000xf32, #tpu.memory_space<hbm>> -> memref<10000000xf32, #tpu.memory_space<hbm>>
    tpu.enqueue_indirect_dma source(%dma_start3A_171 : memref<10000000xf32, #tpu.memory_space<hbm>>) target(%dma_start3A_166 : memref<112xf32, #tpu.memory_space<vmem>>) offsets(%dma_start3A_169 : memref<112xi32, #tpu.memory_space<vmem>>) semaphore(%arg20 : memref<!tpu.dma_semaphore, #tpu.memory_space<semaphore_mem>>)
    %dma_start3A_172 = arith.constant 4 : i32
    %dma_start3A_173 = arith.constant 4 : i32
    %dma_start3A_174 = arith.constant 0 : i32
    %dma_start3A_175 = tpu.memref_slice %arg13[%dma_start3A_173, %dma_start3A_174] : memref<8x112xf32, #tpu.memory_space<vmem>> -> memref<1x112xf32, #tpu.memory_space<vmem>>
    %dma_start3A_176 = tpu.memref_squeeze %dma_start3A_175 : memref<1x112xf32, #tpu.memory_space<vmem>> -> memref<112xf32, #tpu.memory_space<vmem>>
    %dma_start3A_177 = arith.constant 0 : i32
    %dma_start3A_178 = tpu.memref_slice %arg11[%dma_start3A_172, %dma_start3A_177] : memref<8x112xi32, #tpu.memory_space<vmem>> -> memref<1x112xi32, #tpu.memory_space<vmem>>
    %dma_start3A_179 = tpu.memref_squeeze %dma_start3A_178 : memref<1x112xi32, #tpu.memory_space<vmem>> -> memref<112xi32, #tpu.memory_space<vmem>>
    %dma_start3A_180 = arith.constant 0 : i32
    %dma_start3A_181 = tpu.memref_slice %arg4[%dma_start3A_180] : memref<10000000xf32, #tpu.memory_space<hbm>> -> memref<10000000xf32, #tpu.memory_space<hbm>>
    tpu.enqueue_indirect_dma source(%dma_start3A_181 : memref<10000000xf32, #tpu.memory_space<hbm>>) target(%dma_start3A_176 : memref<112xf32, #tpu.memory_space<vmem>>) offsets(%dma_start3A_179 : memref<112xi32, #tpu.memory_space<vmem>>) semaphore(%arg21 : memref<!tpu.dma_semaphore, #tpu.memory_space<semaphore_mem>>)
    %dma_start3A_182 = arith.constant 4 : i32
    %dma_start3A_183 = arith.constant 4 : i32
    %dma_start3A_184 = arith.constant 0 : i32
    %dma_start3A_185 = tpu.memref_slice %arg14[%dma_start3A_183, %dma_start3A_184] : memref<8x112xi32, #tpu.memory_space<vmem>> -> memref<1x112xi32, #tpu.memory_space<vmem>>
    %dma_start3A_186 = tpu.memref_squeeze %dma_start3A_185 : memref<1x112xi32, #tpu.memory_space<vmem>> -> memref<112xi32, #tpu.memory_space<vmem>>
    %dma_start3A_187 = arith.constant 0 : i32
    %dma_start3A_188 = tpu.memref_slice %arg11[%dma_start3A_182, %dma_start3A_187] : memref<8x112xi32, #tpu.memory_space<vmem>> -> memref<1x112xi32, #tpu.memory_space<vmem>>
    %dma_start3A_189 = tpu.memref_squeeze %dma_start3A_188 : memref<1x112xi32, #tpu.memory_space<vmem>> -> memref<112xi32, #tpu.memory_space<vmem>>
    %dma_start3A_190 = arith.constant 0 : i32
    %dma_start3A_191 = tpu.memref_slice %arg5[%dma_start3A_190] : memref<10000000xi32, #tpu.memory_space<hbm>> -> memref<10000000xi32, #tpu.memory_space<hbm>>
    tpu.enqueue_indirect_dma source(%dma_start3A_191 : memref<10000000xi32, #tpu.memory_space<hbm>>) target(%dma_start3A_186 : memref<112xi32, #tpu.memory_space<vmem>>) offsets(%dma_start3A_189 : memref<112xi32, #tpu.memory_space<vmem>>) semaphore(%arg22 : memref<!tpu.dma_semaphore, #tpu.memory_space<semaphore_mem>>)
    %dma_start3A_192 = arith.constant 4 : i32
    %dma_start3A_193 = arith.constant 4 : i32
    %dma_start3A_194 = arith.constant 0 : i32
    %dma_start3A_195 = tpu.memref_slice %arg15[%dma_start3A_193, %dma_start3A_194] : memref<8x112xf32, #tpu.memory_space<vmem>> -> memref<1x112xf32, #tpu.memory_space<vmem>>
    %dma_start3A_196 = tpu.memref_squeeze %dma_start3A_195 : memref<1x112xf32, #tpu.memory_space<vmem>> -> memref<112xf32, #tpu.memory_space<vmem>>
    %dma_start3A_197 = arith.constant 0 : i32
    %dma_start3A_198 = tpu.memref_slice %arg11[%dma_start3A_192, %dma_start3A_197] : memref<8x112xi32, #tpu.memory_space<vmem>> -> memref<1x112xi32, #tpu.memory_space<vmem>>
    %dma_start3A_199 = tpu.memref_squeeze %dma_start3A_198 : memref<1x112xi32, #tpu.memory_space<vmem>> -> memref<112xi32, #tpu.memory_space<vmem>>
    %dma_start3A_200 = arith.constant 0 : i32
    %dma_start3A_201 = tpu.memref_slice %arg6[%dma_start3A_200] : memref<10000000xf32, #tpu.memory_space<hbm>> -> memref<10000000xf32, #tpu.memory_space<hbm>>
    tpu.enqueue_indirect_dma source(%dma_start3A_201 : memref<10000000xf32, #tpu.memory_space<hbm>>) target(%dma_start3A_196 : memref<112xf32, #tpu.memory_space<vmem>>) offsets(%dma_start3A_199 : memref<112xi32, #tpu.memory_space<vmem>>) semaphore(%arg23 : memref<!tpu.dma_semaphore, #tpu.memory_space<semaphore_mem>>)
    %dma_start3A_202 = arith.constant 5 : i32
    %dma_start3A_203 = arith.constant 5 : i32
    %dma_start3A_204 = arith.constant 0 : i32
    %dma_start3A_205 = tpu.memref_slice %arg12[%dma_start3A_203, %dma_start3A_204] : memref<8x112xf32, #tpu.memory_space<vmem>> -> memref<1x112xf32, #tpu.memory_space<vmem>>
    %dma_start3A_206 = tpu.memref_squeeze %dma_start3A_205 : memref<1x112xf32, #tpu.memory_space<vmem>> -> memref<112xf32, #tpu.memory_space<vmem>>
    %dma_start3A_207 = arith.constant 0 : i32
    %dma_start3A_208 = tpu.memref_slice %arg11[%dma_start3A_202, %dma_start3A_207] : memref<8x112xi32, #tpu.memory_space<vmem>> -> memref<1x112xi32, #tpu.memory_space<vmem>>
    %dma_start3A_209 = tpu.memref_squeeze %dma_start3A_208 : memref<1x112xi32, #tpu.memory_space<vmem>> -> memref<112xi32, #tpu.memory_space<vmem>>
    %dma_start3A_210 = arith.constant 0 : i32
    %dma_start3A_211 = tpu.memref_slice %arg3[%dma_start3A_210] : memref<10000000xf32, #tpu.memory_space<hbm>> -> memref<10000000xf32, #tpu.memory_space<hbm>>
    tpu.enqueue_indirect_dma source(%dma_start3A_211 : memref<10000000xf32, #tpu.memory_space<hbm>>) target(%dma_start3A_206 : memref<112xf32, #tpu.memory_space<vmem>>) offsets(%dma_start3A_209 : memref<112xi32, #tpu.memory_space<vmem>>) semaphore(%arg20 : memref<!tpu.dma_semaphore, #tpu.memory_space<semaphore_mem>>)
    %dma_start3A_212 = arith.constant 5 : i32
    %dma_start3A_213 = arith.constant 5 : i32
    %dma_start3A_214 = arith.constant 0 : i32
    %dma_start3A_215 = tpu.memref_slice %arg13[%dma_start3A_213, %dma_start3A_214] : memref<8x112xf32, #tpu.memory_space<vmem>> -> memref<1x112xf32, #tpu.memory_space<vmem>>
    %dma_start3A_216 = tpu.memref_squeeze %dma_start3A_215 : memref<1x112xf32, #tpu.memory_space<vmem>> -> memref<112xf32, #tpu.memory_space<vmem>>
    %dma_start3A_217 = arith.constant 0 : i32
    %dma_start3A_218 = tpu.memref_slice %arg11[%dma_start3A_212, %dma_start3A_217] : memref<8x112xi32, #tpu.memory_space<vmem>> -> memref<1x112xi32, #tpu.memory_space<vmem>>
    %dma_start3A_219 = tpu.memref_squeeze %dma_start3A_218 : memref<1x112xi32, #tpu.memory_space<vmem>> -> memref<112xi32, #tpu.memory_space<vmem>>
    %dma_start3A_220 = arith.constant 0 : i32
    %dma_start3A_221 = tpu.memref_slice %arg4[%dma_start3A_220] : memref<10000000xf32, #tpu.memory_space<hbm>> -> memref<10000000xf32, #tpu.memory_space<hbm>>
    tpu.enqueue_indirect_dma source(%dma_start3A_221 : memref<10000000xf32, #tpu.memory_space<hbm>>) target(%dma_start3A_216 : memref<112xf32, #tpu.memory_space<vmem>>) offsets(%dma_start3A_219 : memref<112xi32, #tpu.memory_space<vmem>>) semaphore(%arg21 : memref<!tpu.dma_semaphore, #tpu.memory_space<semaphore_mem>>)
    %dma_start3A_222 = arith.constant 5 : i32
    %dma_start3A_223 = arith.constant 5 : i32
    %dma_start3A_224 = arith.constant 0 : i32
    %dma_start3A_225 = tpu.memref_slice %arg14[%dma_start3A_223, %dma_start3A_224] : memref<8x112xi32, #tpu.memory_space<vmem>> -> memref<1x112xi32, #tpu.memory_space<vmem>>
    %dma_start3A_226 = tpu.memref_squeeze %dma_start3A_225 : memref<1x112xi32, #tpu.memory_space<vmem>> -> memref<112xi32, #tpu.memory_space<vmem>>
    %dma_start3A_227 = arith.constant 0 : i32
    %dma_start3A_228 = tpu.memref_slice %arg11[%dma_start3A_222, %dma_start3A_227] : memref<8x112xi32, #tpu.memory_space<vmem>> -> memref<1x112xi32, #tpu.memory_space<vmem>>
    %dma_start3A_229 = tpu.memref_squeeze %dma_start3A_228 : memref<1x112xi32, #tpu.memory_space<vmem>> -> memref<112xi32, #tpu.memory_space<vmem>>
    %dma_start3A_230 = arith.constant 0 : i32
    %dma_start3A_231 = tpu.memref_slice %arg5[%dma_start3A_230] : memref<10000000xi32, #tpu.memory_space<hbm>> -> memref<10000000xi32, #tpu.memory_space<hbm>>
    tpu.enqueue_indirect_dma source(%dma_start3A_231 : memref<10000000xi32, #tpu.memory_space<hbm>>) target(%dma_start3A_226 : memref<112xi32, #tpu.memory_space<vmem>>) offsets(%dma_start3A_229 : memref<112xi32, #tpu.memory_space<vmem>>) semaphore(%arg22 : memref<!tpu.dma_semaphore, #tpu.memory_space<semaphore_mem>>)
    %dma_start3A_232 = arith.constant 5 : i32
    %dma_start3A_233 = arith.constant 5 : i32
    %dma_start3A_234 = arith.constant 0 : i32
    %dma_start3A_235 = tpu.memref_slice %arg15[%dma_start3A_233, %dma_start3A_234] : memref<8x112xf32, #tpu.memory_space<vmem>> -> memref<1x112xf32, #tpu.memory_space<vmem>>
    %dma_start3A_236 = tpu.memref_squeeze %dma_start3A_235 : memref<1x112xf32, #tpu.memory_space<vmem>> -> memref<112xf32, #tpu.memory_space<vmem>>
    %dma_start3A_237 = arith.constant 0 : i32
    %dma_start3A_238 = tpu.memref_slice %arg11[%dma_start3A_232, %dma_start3A_237] : memref<8x112xi32, #tpu.memory_space<vmem>> -> memref<1x112xi32, #tpu.memory_space<vmem>>
    %dma_start3A_239 = tpu.memref_squeeze %dma_start3A_238 : memref<1x112xi32, #tpu.memory_space<vmem>> -> memref<112xi32, #tpu.memory_space<vmem>>
    %dma_start3A_240 = arith.constant 0 : i32
    %dma_start3A_241 = tpu.memref_slice %arg6[%dma_start3A_240] : memref<10000000xf32, #tpu.memory_space<hbm>> -> memref<10000000xf32, #tpu.memory_space<hbm>>
    tpu.enqueue_indirect_dma source(%dma_start3A_241 : memref<10000000xf32, #tpu.memory_space<hbm>>) target(%dma_start3A_236 : memref<112xf32, #tpu.memory_space<vmem>>) offsets(%dma_start3A_239 : memref<112xi32, #tpu.memory_space<vmem>>) semaphore(%arg23 : memref<!tpu.dma_semaphore, #tpu.memory_space<semaphore_mem>>)
    %dma_start3A_242 = arith.constant 6 : i32
    %dma_start3A_243 = arith.constant 6 : i32
    %dma_start3A_244 = arith.constant 0 : i32
    %dma_start3A_245 = tpu.memref_slice %arg12[%dma_start3A_243, %dma_start3A_244] : memref<8x112xf32, #tpu.memory_space<vmem>> -> memref<1x112xf32, #tpu.memory_space<vmem>>
    %dma_start3A_246 = tpu.memref_squeeze %dma_start3A_245 : memref<1x112xf32, #tpu.memory_space<vmem>> -> memref<112xf32, #tpu.memory_space<vmem>>
    %dma_start3A_247 = arith.constant 0 : i32
    %dma_start3A_248 = tpu.memref_slice %arg11[%dma_start3A_242, %dma_start3A_247] : memref<8x112xi32, #tpu.memory_space<vmem>> -> memref<1x112xi32, #tpu.memory_space<vmem>>
    %dma_start3A_249 = tpu.memref_squeeze %dma_start3A_248 : memref<1x112xi32, #tpu.memory_space<vmem>> -> memref<112xi32, #tpu.memory_space<vmem>>
    %dma_start3A_250 = arith.constant 0 : i32
    %dma_start3A_251 = tpu.memref_slice %arg3[%dma_start3A_250] : memref<10000000xf32, #tpu.memory_space<hbm>> -> memref<10000000xf32, #tpu.memory_space<hbm>>
    tpu.enqueue_indirect_dma source(%dma_start3A_251 : memref<10000000xf32, #tpu.memory_space<hbm>>) target(%dma_start3A_246 : memref<112xf32, #tpu.memory_space<vmem>>) offsets(%dma_start3A_249 : memref<112xi32, #tpu.memory_space<vmem>>) semaphore(%arg20 : memref<!tpu.dma_semaphore, #tpu.memory_space<semaphore_mem>>)
    %dma_start3A_252 = arith.constant 6 : i32
    %dma_start3A_253 = arith.constant 6 : i32
    %dma_start3A_254 = arith.constant 0 : i32
    %dma_start3A_255 = tpu.memref_slice %arg13[%dma_start3A_253, %dma_start3A_254] : memref<8x112xf32, #tpu.memory_space<vmem>> -> memref<1x112xf32, #tpu.memory_space<vmem>>
    %dma_start3A_256 = tpu.memref_squeeze %dma_start3A_255 : memref<1x112xf32, #tpu.memory_space<vmem>> -> memref<112xf32, #tpu.memory_space<vmem>>
    %dma_start3A_257 = arith.constant 0 : i32
    %dma_start3A_258 = tpu.memref_slice %arg11[%dma_start3A_252, %dma_start3A_257] : memref<8x112xi32, #tpu.memory_space<vmem>> -> memref<1x112xi32, #tpu.memory_space<vmem>>
    %dma_start3A_259 = tpu.memref_squeeze %dma_start3A_258 : memref<1x112xi32, #tpu.memory_space<vmem>> -> memref<112xi32, #tpu.memory_space<vmem>>
    %dma_start3A_260 = arith.constant 0 : i32
    %dma_start3A_261 = tpu.memref_slice %arg4[%dma_start3A_260] : memref<10000000xf32, #tpu.memory_space<hbm>> -> memref<10000000xf32, #tpu.memory_space<hbm>>
    tpu.enqueue_indirect_dma source(%dma_start3A_261 : memref<10000000xf32, #tpu.memory_space<hbm>>) target(%dma_start3A_256 : memref<112xf32, #tpu.memory_space<vmem>>) offsets(%dma_start3A_259 : memref<112xi32, #tpu.memory_space<vmem>>) semaphore(%arg21 : memref<!tpu.dma_semaphore, #tpu.memory_space<semaphore_mem>>)
    %dma_start3A_262 = arith.constant 6 : i32
    %dma_start3A_263 = arith.constant 6 : i32
    %dma_start3A_264 = arith.constant 0 : i32
    %dma_start3A_265 = tpu.memref_slice %arg14[%dma_start3A_263, %dma_start3A_264] : memref<8x112xi32, #tpu.memory_space<vmem>> -> memref<1x112xi32, #tpu.memory_space<vmem>>
    %dma_start3A_266 = tpu.memref_squeeze %dma_start3A_265 : memref<1x112xi32, #tpu.memory_space<vmem>> -> memref<112xi32, #tpu.memory_space<vmem>>
    %dma_start3A_267 = arith.constant 0 : i32
    %dma_start3A_268 = tpu.memref_slice %arg11[%dma_start3A_262, %dma_start3A_267] : memref<8x112xi32, #tpu.memory_space<vmem>> -> memref<1x112xi32, #tpu.memory_space<vmem>>
    %dma_start3A_269 = tpu.memref_squeeze %dma_start3A_268 : memref<1x112xi32, #tpu.memory_space<vmem>> -> memref<112xi32, #tpu.memory_space<vmem>>
    %dma_start3A_270 = arith.constant 0 : i32
    %dma_start3A_271 = tpu.memref_slice %arg5[%dma_start3A_270] : memref<10000000xi32, #tpu.memory_space<hbm>> -> memref<10000000xi32, #tpu.memory_space<hbm>>
    tpu.enqueue_indirect_dma source(%dma_start3A_271 : memref<10000000xi32, #tpu.memory_space<hbm>>) target(%dma_start3A_266 : memref<112xi32, #tpu.memory_space<vmem>>) offsets(%dma_start3A_269 : memref<112xi32, #tpu.memory_space<vmem>>) semaphore(%arg22 : memref<!tpu.dma_semaphore, #tpu.memory_space<semaphore_mem>>)
    %dma_start3A_272 = arith.constant 6 : i32
    %dma_start3A_273 = arith.constant 6 : i32
    %dma_start3A_274 = arith.constant 0 : i32
    %dma_start3A_275 = tpu.memref_slice %arg15[%dma_start3A_273, %dma_start3A_274] : memref<8x112xf32, #tpu.memory_space<vmem>> -> memref<1x112xf32, #tpu.memory_space<vmem>>
    %dma_start3A_276 = tpu.memref_squeeze %dma_start3A_275 : memref<1x112xf32, #tpu.memory_space<vmem>> -> memref<112xf32, #tpu.memory_space<vmem>>
    %dma_start3A_277 = arith.constant 0 : i32
    %dma_start3A_278 = tpu.memref_slice %arg11[%dma_start3A_272, %dma_start3A_277] : memref<8x112xi32, #tpu.memory_space<vmem>> -> memref<1x112xi32, #tpu.memory_space<vmem>>
    %dma_start3A_279 = tpu.memref_squeeze %dma_start3A_278 : memref<1x112xi32, #tpu.memory_space<vmem>> -> memref<112xi32, #tpu.memory_space<vmem>>
    %dma_start3A_280 = arith.constant 0 : i32
    %dma_start3A_281 = tpu.memref_slice %arg6[%dma_start3A_280] : memref<10000000xf32, #tpu.memory_space<hbm>> -> memref<10000000xf32, #tpu.memory_space<hbm>>
    tpu.enqueue_indirect_dma source(%dma_start3A_281 : memref<10000000xf32, #tpu.memory_space<hbm>>) target(%dma_start3A_276 : memref<112xf32, #tpu.memory_space<vmem>>) offsets(%dma_start3A_279 : memref<112xi32, #tpu.memory_space<vmem>>) semaphore(%arg23 : memref<!tpu.dma_semaphore, #tpu.memory_space<semaphore_mem>>)
    %dma_start3A_282 = arith.constant 7 : i32
    %dma_start3A_283 = arith.constant 7 : i32
    %dma_start3A_284 = arith.constant 0 : i32
    %dma_start3A_285 = tpu.memref_slice %arg12[%dma_start3A_283, %dma_start3A_284] : memref<8x112xf32, #tpu.memory_space<vmem>> -> memref<1x112xf32, #tpu.memory_space<vmem>>
    %dma_start3A_286 = tpu.memref_squeeze %dma_start3A_285 : memref<1x112xf32, #tpu.memory_space<vmem>> -> memref<112xf32, #tpu.memory_space<vmem>>
    %dma_start3A_287 = arith.constant 0 : i32
    %dma_start3A_288 = tpu.memref_slice %arg11[%dma_start3A_282, %dma_start3A_287] : memref<8x112xi32, #tpu.memory_space<vmem>> -> memref<1x112xi32, #tpu.memory_space<vmem>>
    %dma_start3A_289 = tpu.memref_squeeze %dma_start3A_288 : memref<1x112xi32, #tpu.memory_space<vmem>> -> memref<112xi32, #tpu.memory_space<vmem>>
    %dma_start3A_290 = arith.constant 0 : i32
    %dma_start3A_291 = tpu.memref_slice %arg3[%dma_start3A_290] : memref<10000000xf32, #tpu.memory_space<hbm>> -> memref<10000000xf32, #tpu.memory_space<hbm>>
    tpu.enqueue_indirect_dma source(%dma_start3A_291 : memref<10000000xf32, #tpu.memory_space<hbm>>) target(%dma_start3A_286 : memref<112xf32, #tpu.memory_space<vmem>>) offsets(%dma_start3A_289 : memref<112xi32, #tpu.memory_space<vmem>>) semaphore(%arg20 : memref<!tpu.dma_semaphore, #tpu.memory_space<semaphore_mem>>)
    %dma_start3A_292 = arith.constant 7 : i32
    %dma_start3A_293 = arith.constant 7 : i32
    %dma_start3A_294 = arith.constant 0 : i32
    %dma_start3A_295 = tpu.memref_slice %arg13[%dma_start3A_293, %dma_start3A_294] : memref<8x112xf32, #tpu.memory_space<vmem>> -> memref<1x112xf32, #tpu.memory_space<vmem>>
    %dma_start3A_296 = tpu.memref_squeeze %dma_start3A_295 : memref<1x112xf32, #tpu.memory_space<vmem>> -> memref<112xf32, #tpu.memory_space<vmem>>
    %dma_start3A_297 = arith.constant 0 : i32
    %dma_start3A_298 = tpu.memref_slice %arg11[%dma_start3A_292, %dma_start3A_297] : memref<8x112xi32, #tpu.memory_space<vmem>> -> memref<1x112xi32, #tpu.memory_space<vmem>>
    %dma_start3A_299 = tpu.memref_squeeze %dma_start3A_298 : memref<1x112xi32, #tpu.memory_space<vmem>> -> memref<112xi32, #tpu.memory_space<vmem>>
    %dma_start3A_300 = arith.constant 0 : i32
    %dma_start3A_301 = tpu.memref_slice %arg4[%dma_start3A_300] : memref<10000000xf32, #tpu.memory_space<hbm>> -> memref<10000000xf32, #tpu.memory_space<hbm>>
    tpu.enqueue_indirect_dma source(%dma_start3A_301 : memref<10000000xf32, #tpu.memory_space<hbm>>) target(%dma_start3A_296 : memref<112xf32, #tpu.memory_space<vmem>>) offsets(%dma_start3A_299 : memref<112xi32, #tpu.memory_space<vmem>>) semaphore(%arg21 : memref<!tpu.dma_semaphore, #tpu.memory_space<semaphore_mem>>)
    %dma_start3A_302 = arith.constant 7 : i32
    %dma_start3A_303 = arith.constant 7 : i32
    %dma_start3A_304 = arith.constant 0 : i32
    %dma_start3A_305 = tpu.memref_slice %arg14[%dma_start3A_303, %dma_start3A_304] : memref<8x112xi32, #tpu.memory_space<vmem>> -> memref<1x112xi32, #tpu.memory_space<vmem>>
    %dma_start3A_306 = tpu.memref_squeeze %dma_start3A_305 : memref<1x112xi32, #tpu.memory_space<vmem>> -> memref<112xi32, #tpu.memory_space<vmem>>
    %dma_start3A_307 = arith.constant 0 : i32
    %dma_start3A_308 = tpu.memref_slice %arg11[%dma_start3A_302, %dma_start3A_307] : memref<8x112xi32, #tpu.memory_space<vmem>> -> memref<1x112xi32, #tpu.memory_space<vmem>>
    %dma_start3A_309 = tpu.memref_squeeze %dma_start3A_308 : memref<1x112xi32, #tpu.memory_space<vmem>> -> memref<112xi32, #tpu.memory_space<vmem>>
    %dma_start3A_310 = arith.constant 0 : i32
    %dma_start3A_311 = tpu.memref_slice %arg5[%dma_start3A_310] : memref<10000000xi32, #tpu.memory_space<hbm>> -> memref<10000000xi32, #tpu.memory_space<hbm>>
    tpu.enqueue_indirect_dma source(%dma_start3A_311 : memref<10000000xi32, #tpu.memory_space<hbm>>) target(%dma_start3A_306 : memref<112xi32, #tpu.memory_space<vmem>>) offsets(%dma_start3A_309 : memref<112xi32, #tpu.memory_space<vmem>>) semaphore(%arg22 : memref<!tpu.dma_semaphore, #tpu.memory_space<semaphore_mem>>)
    %dma_start3A_312 = arith.constant 7 : i32
    %dma_start3A_313 = arith.constant 7 : i32
    %dma_start3A_314 = arith.constant 0 : i32
    %dma_start3A_315 = tpu.memref_slice %arg15[%dma_start3A_313, %dma_start3A_314] : memref<8x112xf32, #tpu.memory_space<vmem>> -> memref<1x112xf32, #tpu.memory_space<vmem>>
    %dma_start3A_316 = tpu.memref_squeeze %dma_start3A_315 : memref<1x112xf32, #tpu.memory_space<vmem>> -> memref<112xf32, #tpu.memory_space<vmem>>
    %dma_start3A_317 = arith.constant 0 : i32
    %dma_start3A_318 = tpu.memref_slice %arg11[%dma_start3A_312, %dma_start3A_317] : memref<8x112xi32, #tpu.memory_space<vmem>> -> memref<1x112xi32, #tpu.memory_space<vmem>>
    %dma_start3A_319 = tpu.memref_squeeze %dma_start3A_318 : memref<1x112xi32, #tpu.memory_space<vmem>> -> memref<112xi32, #tpu.memory_space<vmem>>
    %dma_start3A_320 = arith.constant 0 : i32
    %dma_start3A_321 = tpu.memref_slice %arg6[%dma_start3A_320] : memref<10000000xf32, #tpu.memory_space<hbm>> -> memref<10000000xf32, #tpu.memory_space<hbm>>
    tpu.enqueue_indirect_dma source(%dma_start3A_321 : memref<10000000xf32, #tpu.memory_space<hbm>>) target(%dma_start3A_316 : memref<112xf32, #tpu.memory_space<vmem>>) offsets(%dma_start3A_319 : memref<112xi32, #tpu.memory_space<vmem>>) semaphore(%arg23 : memref<!tpu.dma_semaphore, #tpu.memory_space<semaphore_mem>>)
    %dma_wait3A = arith.constant 0 : i32
    %dma_wait3A_322 = arith.constant 0 : i32
    %dma_wait3A_323 = arith.constant 0 : i32
    %dma_wait3A_324 = tpu.memref_slice %arg12[%dma_wait3A_322, %dma_wait3A_323] : memref<8x112xf32, #tpu.memory_space<vmem>> -> memref<1x112xf32, #tpu.memory_space<vmem>>
    %dma_wait3A_325 = tpu.memref_squeeze %dma_wait3A_324 : memref<1x112xf32, #tpu.memory_space<vmem>> -> memref<112xf32, #tpu.memory_space<vmem>>
    %dma_wait3A_326 = arith.constant 0 : i32
    %dma_wait3A_327 = tpu.memref_slice %arg11[%dma_wait3A, %dma_wait3A_326] : memref<8x112xi32, #tpu.memory_space<vmem>> -> memref<1x112xi32, #tpu.memory_space<vmem>>
    %dma_wait3A_328 = tpu.memref_squeeze %dma_wait3A_327 : memref<1x112xi32, #tpu.memory_space<vmem>> -> memref<112xi32, #tpu.memory_space<vmem>>
    %dma_wait3A_329 = arith.constant 0 : i32
    %dma_wait3A_330 = tpu.memref_slice %arg3[%dma_wait3A_329] : memref<10000000xf32, #tpu.memory_space<hbm>> -> memref<10000000xf32, #tpu.memory_space<hbm>>
    tpu.wait_indirect_dma semaphore(%arg20 : memref<!tpu.dma_semaphore, #tpu.memory_space<semaphore_mem>>) src(%dma_wait3A_330 : memref<10000000xf32, #tpu.memory_space<hbm>>) dst(%dma_wait3A_325 : memref<112xf32, #tpu.memory_space<vmem>>)
    %dma_wait3A_331 = arith.constant 0 : i32
    %dma_wait3A_332 = arith.constant 0 : i32
    %dma_wait3A_333 = arith.constant 0 : i32
    %dma_wait3A_334 = tpu.memref_slice %arg13[%dma_wait3A_332, %dma_wait3A_333] : memref<8x112xf32, #tpu.memory_space<vmem>> -> memref<1x112xf32, #tpu.memory_space<vmem>>
    %dma_wait3A_335 = tpu.memref_squeeze %dma_wait3A_334 : memref<1x112xf32, #tpu.memory_space<vmem>> -> memref<112xf32, #tpu.memory_space<vmem>>
    %dma_wait3A_336 = arith.constant 0 : i32
    %dma_wait3A_337 = tpu.memref_slice %arg11[%dma_wait3A_331, %dma_wait3A_336] : memref<8x112xi32, #tpu.memory_space<vmem>> -> memref<1x112xi32, #tpu.memory_space<vmem>>
    %dma_wait3A_338 = tpu.memref_squeeze %dma_wait3A_337 : memref<1x112xi32, #tpu.memory_space<vmem>> -> memref<112xi32, #tpu.memory_space<vmem>>
    %dma_wait3A_339 = arith.constant 0 : i32
    %dma_wait3A_340 = tpu.memref_slice %arg4[%dma_wait3A_339] : memref<10000000xf32, #tpu.memory_space<hbm>> -> memref<10000000xf32, #tpu.memory_space<hbm>>
    tpu.wait_indirect_dma semaphore(%arg21 : memref<!tpu.dma_semaphore, #tpu.memory_space<semaphore_mem>>) src(%dma_wait3A_340 : memref<10000000xf32, #tpu.memory_space<hbm>>) dst(%dma_wait3A_335 : memref<112xf32, #tpu.memory_space<vmem>>)
    %dma_wait3A_341 = arith.constant 0 : i32
    %dma_wait3A_342 = arith.constant 0 : i32
    %dma_wait3A_343 = arith.constant 0 : i32
    %dma_wait3A_344 = tpu.memref_slice %arg14[%dma_wait3A_342, %dma_wait3A_343] : memref<8x112xi32, #tpu.memory_space<vmem>> -> memref<1x112xi32, #tpu.memory_space<vmem>>
    %dma_wait3A_345 = tpu.memref_squeeze %dma_wait3A_344 : memref<1x112xi32, #tpu.memory_space<vmem>> -> memref<112xi32, #tpu.memory_space<vmem>>
    %dma_wait3A_346 = arith.constant 0 : i32
    %dma_wait3A_347 = tpu.memref_slice %arg11[%dma_wait3A_341, %dma_wait3A_346] : memref<8x112xi32, #tpu.memory_space<vmem>> -> memref<1x112xi32, #tpu.memory_space<vmem>>
    %dma_wait3A_348 = tpu.memref_squeeze %dma_wait3A_347 : memref<1x112xi32, #tpu.memory_space<vmem>> -> memref<112xi32, #tpu.memory_space<vmem>>
    %dma_wait3A_349 = arith.constant 0 : i32
    %dma_wait3A_350 = tpu.memref_slice %arg5[%dma_wait3A_349] : memref<10000000xi32, #tpu.memory_space<hbm>> -> memref<10000000xi32, #tpu.memory_space<hbm>>
    tpu.wait_indirect_dma semaphore(%arg22 : memref<!tpu.dma_semaphore, #tpu.memory_space<semaphore_mem>>) src(%dma_wait3A_350 : memref<10000000xi32, #tpu.memory_space<hbm>>) dst(%dma_wait3A_345 : memref<112xi32, #tpu.memory_space<vmem>>)
    %dma_wait3A_351 = arith.constant 0 : i32
    %dma_wait3A_352 = arith.constant 0 : i32
    %dma_wait3A_353 = arith.constant 0 : i32
    %dma_wait3A_354 = tpu.memref_slice %arg15[%dma_wait3A_352, %dma_wait3A_353] : memref<8x112xf32, #tpu.memory_space<vmem>> -> memref<1x112xf32, #tpu.memory_space<vmem>>
    %dma_wait3A_355 = tpu.memref_squeeze %dma_wait3A_354 : memref<1x112xf32, #tpu.memory_space<vmem>> -> memref<112xf32, #tpu.memory_space<vmem>>
    %dma_wait3A_356 = arith.constant 0 : i32
    %dma_wait3A_357 = tpu.memref_slice %arg11[%dma_wait3A_351, %dma_wait3A_356] : memref<8x112xi32, #tpu.memory_space<vmem>> -> memref<1x112xi32, #tpu.memory_space<vmem>>
    %dma_wait3A_358 = tpu.memref_squeeze %dma_wait3A_357 : memref<1x112xi32, #tpu.memory_space<vmem>> -> memref<112xi32, #tpu.memory_space<vmem>>
    %dma_wait3A_359 = arith.constant 0 : i32
    %dma_wait3A_360 = tpu.memref_slice %arg6[%dma_wait3A_359] : memref<10000000xf32, #tpu.memory_space<hbm>> -> memref<10000000xf32, #tpu.memory_space<hbm>>
    tpu.wait_indirect_dma semaphore(%arg23 : memref<!tpu.dma_semaphore, #tpu.memory_space<semaphore_mem>>) src(%dma_wait3A_360 : memref<10000000xf32, #tpu.memory_space<hbm>>) dst(%dma_wait3A_355 : memref<112xf32, #tpu.memory_space<vmem>>)
    %dma_wait3A_361 = arith.constant 1 : i32
    %dma_wait3A_362 = arith.constant 1 : i32
    %dma_wait3A_363 = arith.constant 0 : i32
    %dma_wait3A_364 = tpu.memref_slice %arg12[%dma_wait3A_362, %dma_wait3A_363] : memref<8x112xf32, #tpu.memory_space<vmem>> -> memref<1x112xf32, #tpu.memory_space<vmem>>
    %dma_wait3A_365 = tpu.memref_squeeze %dma_wait3A_364 : memref<1x112xf32, #tpu.memory_space<vmem>> -> memref<112xf32, #tpu.memory_space<vmem>>
    %dma_wait3A_366 = arith.constant 0 : i32
    %dma_wait3A_367 = tpu.memref_slice %arg11[%dma_wait3A_361, %dma_wait3A_366] : memref<8x112xi32, #tpu.memory_space<vmem>> -> memref<1x112xi32, #tpu.memory_space<vmem>>
    %dma_wait3A_368 = tpu.memref_squeeze %dma_wait3A_367 : memref<1x112xi32, #tpu.memory_space<vmem>> -> memref<112xi32, #tpu.memory_space<vmem>>
    %dma_wait3A_369 = arith.constant 0 : i32
    %dma_wait3A_370 = tpu.memref_slice %arg3[%dma_wait3A_369] : memref<10000000xf32, #tpu.memory_space<hbm>> -> memref<10000000xf32, #tpu.memory_space<hbm>>
    tpu.wait_indirect_dma semaphore(%arg20 : memref<!tpu.dma_semaphore, #tpu.memory_space<semaphore_mem>>) src(%dma_wait3A_370 : memref<10000000xf32, #tpu.memory_space<hbm>>) dst(%dma_wait3A_365 : memref<112xf32, #tpu.memory_space<vmem>>)
    %dma_wait3A_371 = arith.constant 1 : i32
    %dma_wait3A_372 = arith.constant 1 : i32
    %dma_wait3A_373 = arith.constant 0 : i32
    %dma_wait3A_374 = tpu.memref_slice %arg13[%dma_wait3A_372, %dma_wait3A_373] : memref<8x112xf32, #tpu.memory_space<vmem>> -> memref<1x112xf32, #tpu.memory_space<vmem>>
    %dma_wait3A_375 = tpu.memref_squeeze %dma_wait3A_374 : memref<1x112xf32, #tpu.memory_space<vmem>> -> memref<112xf32, #tpu.memory_space<vmem>>
    %dma_wait3A_376 = arith.constant 0 : i32
    %dma_wait3A_377 = tpu.memref_slice %arg11[%dma_wait3A_371, %dma_wait3A_376] : memref<8x112xi32, #tpu.memory_space<vmem>> -> memref<1x112xi32, #tpu.memory_space<vmem>>
    %dma_wait3A_378 = tpu.memref_squeeze %dma_wait3A_377 : memref<1x112xi32, #tpu.memory_space<vmem>> -> memref<112xi32, #tpu.memory_space<vmem>>
    %dma_wait3A_379 = arith.constant 0 : i32
    %dma_wait3A_380 = tpu.memref_slice %arg4[%dma_wait3A_379] : memref<10000000xf32, #tpu.memory_space<hbm>> -> memref<10000000xf32, #tpu.memory_space<hbm>>
    tpu.wait_indirect_dma semaphore(%arg21 : memref<!tpu.dma_semaphore, #tpu.memory_space<semaphore_mem>>) src(%dma_wait3A_380 : memref<10000000xf32, #tpu.memory_space<hbm>>) dst(%dma_wait3A_375 : memref<112xf32, #tpu.memory_space<vmem>>)
    %dma_wait3A_381 = arith.constant 1 : i32
    %dma_wait3A_382 = arith.constant 1 : i32
    %dma_wait3A_383 = arith.constant 0 : i32
    %dma_wait3A_384 = tpu.memref_slice %arg14[%dma_wait3A_382, %dma_wait3A_383] : memref<8x112xi32, #tpu.memory_space<vmem>> -> memref<1x112xi32, #tpu.memory_space<vmem>>
    %dma_wait3A_385 = tpu.memref_squeeze %dma_wait3A_384 : memref<1x112xi32, #tpu.memory_space<vmem>> -> memref<112xi32, #tpu.memory_space<vmem>>
    %dma_wait3A_386 = arith.constant 0 : i32
    %dma_wait3A_387 = tpu.memref_slice %arg11[%dma_wait3A_381, %dma_wait3A_386] : memref<8x112xi32, #tpu.memory_space<vmem>> -> memref<1x112xi32, #tpu.memory_space<vmem>>
    %dma_wait3A_388 = tpu.memref_squeeze %dma_wait3A_387 : memref<1x112xi32, #tpu.memory_space<vmem>> -> memref<112xi32, #tpu.memory_space<vmem>>
    %dma_wait3A_389 = arith.constant 0 : i32
    %dma_wait3A_390 = tpu.memref_slice %arg5[%dma_wait3A_389] : memref<10000000xi32, #tpu.memory_space<hbm>> -> memref<10000000xi32, #tpu.memory_space<hbm>>
    tpu.wait_indirect_dma semaphore(%arg22 : memref<!tpu.dma_semaphore, #tpu.memory_space<semaphore_mem>>) src(%dma_wait3A_390 : memref<10000000xi32, #tpu.memory_space<hbm>>) dst(%dma_wait3A_385 : memref<112xi32, #tpu.memory_space<vmem>>)
    %dma_wait3A_391 = arith.constant 1 : i32
    %dma_wait3A_392 = arith.constant 1 : i32
    %dma_wait3A_393 = arith.constant 0 : i32
    %dma_wait3A_394 = tpu.memref_slice %arg15[%dma_wait3A_392, %dma_wait3A_393] : memref<8x112xf32, #tpu.memory_space<vmem>> -> memref<1x112xf32, #tpu.memory_space<vmem>>
    %dma_wait3A_395 = tpu.memref_squeeze %dma_wait3A_394 : memref<1x112xf32, #tpu.memory_space<vmem>> -> memref<112xf32, #tpu.memory_space<vmem>>
    %dma_wait3A_396 = arith.constant 0 : i32
    %dma_wait3A_397 = tpu.memref_slice %arg11[%dma_wait3A_391, %dma_wait3A_396] : memref<8x112xi32, #tpu.memory_space<vmem>> -> memref<1x112xi32, #tpu.memory_space<vmem>>
    %dma_wait3A_398 = tpu.memref_squeeze %dma_wait3A_397 : memref<1x112xi32, #tpu.memory_space<vmem>> -> memref<112xi32, #tpu.memory_space<vmem>>
    %dma_wait3A_399 = arith.constant 0 : i32
    %dma_wait3A_400 = tpu.memref_slice %arg6[%dma_wait3A_399] : memref<10000000xf32, #tpu.memory_space<hbm>> -> memref<10000000xf32, #tpu.memory_space<hbm>>
    tpu.wait_indirect_dma semaphore(%arg23 : memref<!tpu.dma_semaphore, #tpu.memory_space<semaphore_mem>>) src(%dma_wait3A_400 : memref<10000000xf32, #tpu.memory_space<hbm>>) dst(%dma_wait3A_395 : memref<112xf32, #tpu.memory_space<vmem>>)
    %dma_wait3A_401 = arith.constant 2 : i32
    %dma_wait3A_402 = arith.constant 2 : i32
    %dma_wait3A_403 = arith.constant 0 : i32
    %dma_wait3A_404 = tpu.memref_slice %arg12[%dma_wait3A_402, %dma_wait3A_403] : memref<8x112xf32, #tpu.memory_space<vmem>> -> memref<1x112xf32, #tpu.memory_space<vmem>>
    %dma_wait3A_405 = tpu.memref_squeeze %dma_wait3A_404 : memref<1x112xf32, #tpu.memory_space<vmem>> -> memref<112xf32, #tpu.memory_space<vmem>>
    %dma_wait3A_406 = arith.constant 0 : i32
    %dma_wait3A_407 = tpu.memref_slice %arg11[%dma_wait3A_401, %dma_wait3A_406] : memref<8x112xi32, #tpu.memory_space<vmem>> -> memref<1x112xi32, #tpu.memory_space<vmem>>
    %dma_wait3A_408 = tpu.memref_squeeze %dma_wait3A_407 : memref<1x112xi32, #tpu.memory_space<vmem>> -> memref<112xi32, #tpu.memory_space<vmem>>
    %dma_wait3A_409 = arith.constant 0 : i32
    %dma_wait3A_410 = tpu.memref_slice %arg3[%dma_wait3A_409] : memref<10000000xf32, #tpu.memory_space<hbm>> -> memref<10000000xf32, #tpu.memory_space<hbm>>
    tpu.wait_indirect_dma semaphore(%arg20 : memref<!tpu.dma_semaphore, #tpu.memory_space<semaphore_mem>>) src(%dma_wait3A_410 : memref<10000000xf32, #tpu.memory_space<hbm>>) dst(%dma_wait3A_405 : memref<112xf32, #tpu.memory_space<vmem>>)
    %dma_wait3A_411 = arith.constant 2 : i32
    %dma_wait3A_412 = arith.constant 2 : i32
    %dma_wait3A_413 = arith.constant 0 : i32
    %dma_wait3A_414 = tpu.memref_slice %arg13[%dma_wait3A_412, %dma_wait3A_413] : memref<8x112xf32, #tpu.memory_space<vmem>> -> memref<1x112xf32, #tpu.memory_space<vmem>>
    %dma_wait3A_415 = tpu.memref_squeeze %dma_wait3A_414 : memref<1x112xf32, #tpu.memory_space<vmem>> -> memref<112xf32, #tpu.memory_space<vmem>>
    %dma_wait3A_416 = arith.constant 0 : i32
    %dma_wait3A_417 = tpu.memref_slice %arg11[%dma_wait3A_411, %dma_wait3A_416] : memref<8x112xi32, #tpu.memory_space<vmem>> -> memref<1x112xi32, #tpu.memory_space<vmem>>
    %dma_wait3A_418 = tpu.memref_squeeze %dma_wait3A_417 : memref<1x112xi32, #tpu.memory_space<vmem>> -> memref<112xi32, #tpu.memory_space<vmem>>
    %dma_wait3A_419 = arith.constant 0 : i32
    %dma_wait3A_420 = tpu.memref_slice %arg4[%dma_wait3A_419] : memref<10000000xf32, #tpu.memory_space<hbm>> -> memref<10000000xf32, #tpu.memory_space<hbm>>
    tpu.wait_indirect_dma semaphore(%arg21 : memref<!tpu.dma_semaphore, #tpu.memory_space<semaphore_mem>>) src(%dma_wait3A_420 : memref<10000000xf32, #tpu.memory_space<hbm>>) dst(%dma_wait3A_415 : memref<112xf32, #tpu.memory_space<vmem>>)
    %dma_wait3A_421 = arith.constant 2 : i32
    %dma_wait3A_422 = arith.constant 2 : i32
    %dma_wait3A_423 = arith.constant 0 : i32
    %dma_wait3A_424 = tpu.memref_slice %arg14[%dma_wait3A_422, %dma_wait3A_423] : memref<8x112xi32, #tpu.memory_space<vmem>> -> memref<1x112xi32, #tpu.memory_space<vmem>>
    %dma_wait3A_425 = tpu.memref_squeeze %dma_wait3A_424 : memref<1x112xi32, #tpu.memory_space<vmem>> -> memref<112xi32, #tpu.memory_space<vmem>>
    %dma_wait3A_426 = arith.constant 0 : i32
    %dma_wait3A_427 = tpu.memref_slice %arg11[%dma_wait3A_421, %dma_wait3A_426] : memref<8x112xi32, #tpu.memory_space<vmem>> -> memref<1x112xi32, #tpu.memory_space<vmem>>
    %dma_wait3A_428 = tpu.memref_squeeze %dma_wait3A_427 : memref<1x112xi32, #tpu.memory_space<vmem>> -> memref<112xi32, #tpu.memory_space<vmem>>
    %dma_wait3A_429 = arith.constant 0 : i32
    %dma_wait3A_430 = tpu.memref_slice %arg5[%dma_wait3A_429] : memref<10000000xi32, #tpu.memory_space<hbm>> -> memref<10000000xi32, #tpu.memory_space<hbm>>
    tpu.wait_indirect_dma semaphore(%arg22 : memref<!tpu.dma_semaphore, #tpu.memory_space<semaphore_mem>>) src(%dma_wait3A_430 : memref<10000000xi32, #tpu.memory_space<hbm>>) dst(%dma_wait3A_425 : memref<112xi32, #tpu.memory_space<vmem>>)
    %dma_wait3A_431 = arith.constant 2 : i32
    %dma_wait3A_432 = arith.constant 2 : i32
    %dma_wait3A_433 = arith.constant 0 : i32
    %dma_wait3A_434 = tpu.memref_slice %arg15[%dma_wait3A_432, %dma_wait3A_433] : memref<8x112xf32, #tpu.memory_space<vmem>> -> memref<1x112xf32, #tpu.memory_space<vmem>>
    %dma_wait3A_435 = tpu.memref_squeeze %dma_wait3A_434 : memref<1x112xf32, #tpu.memory_space<vmem>> -> memref<112xf32, #tpu.memory_space<vmem>>
    %dma_wait3A_436 = arith.constant 0 : i32
    %dma_wait3A_437 = tpu.memref_slice %arg11[%dma_wait3A_431, %dma_wait3A_436] : memref<8x112xi32, #tpu.memory_space<vmem>> -> memref<1x112xi32, #tpu.memory_space<vmem>>
    %dma_wait3A_438 = tpu.memref_squeeze %dma_wait3A_437 : memref<1x112xi32, #tpu.memory_space<vmem>> -> memref<112xi32, #tpu.memory_space<vmem>>
    %dma_wait3A_439 = arith.constant 0 : i32
    %dma_wait3A_440 = tpu.memref_slice %arg6[%dma_wait3A_439] : memref<10000000xf32, #tpu.memory_space<hbm>> -> memref<10000000xf32, #tpu.memory_space<hbm>>
    tpu.wait_indirect_dma semaphore(%arg23 : memref<!tpu.dma_semaphore, #tpu.memory_space<semaphore_mem>>) src(%dma_wait3A_440 : memref<10000000xf32, #tpu.memory_space<hbm>>) dst(%dma_wait3A_435 : memref<112xf32, #tpu.memory_space<vmem>>)
    %dma_wait3A_441 = arith.constant 3 : i32
    %dma_wait3A_442 = arith.constant 3 : i32
    %dma_wait3A_443 = arith.constant 0 : i32
    %dma_wait3A_444 = tpu.memref_slice %arg12[%dma_wait3A_442, %dma_wait3A_443] : memref<8x112xf32, #tpu.memory_space<vmem>> -> memref<1x112xf32, #tpu.memory_space<vmem>>
    %dma_wait3A_445 = tpu.memref_squeeze %dma_wait3A_444 : memref<1x112xf32, #tpu.memory_space<vmem>> -> memref<112xf32, #tpu.memory_space<vmem>>
    %dma_wait3A_446 = arith.constant 0 : i32
    %dma_wait3A_447 = tpu.memref_slice %arg11[%dma_wait3A_441, %dma_wait3A_446] : memref<8x112xi32, #tpu.memory_space<vmem>> -> memref<1x112xi32, #tpu.memory_space<vmem>>
    %dma_wait3A_448 = tpu.memref_squeeze %dma_wait3A_447 : memref<1x112xi32, #tpu.memory_space<vmem>> -> memref<112xi32, #tpu.memory_space<vmem>>
    %dma_wait3A_449 = arith.constant 0 : i32
    %dma_wait3A_450 = tpu.memref_slice %arg3[%dma_wait3A_449] : memref<10000000xf32, #tpu.memory_space<hbm>> -> memref<10000000xf32, #tpu.memory_space<hbm>>
    tpu.wait_indirect_dma semaphore(%arg20 : memref<!tpu.dma_semaphore, #tpu.memory_space<semaphore_mem>>) src(%dma_wait3A_450 : memref<10000000xf32, #tpu.memory_space<hbm>>) dst(%dma_wait3A_445 : memref<112xf32, #tpu.memory_space<vmem>>)
    %dma_wait3A_451 = arith.constant 3 : i32
    %dma_wait3A_452 = arith.constant 3 : i32
    %dma_wait3A_453 = arith.constant 0 : i32
    %dma_wait3A_454 = tpu.memref_slice %arg13[%dma_wait3A_452, %dma_wait3A_453] : memref<8x112xf32, #tpu.memory_space<vmem>> -> memref<1x112xf32, #tpu.memory_space<vmem>>
    %dma_wait3A_455 = tpu.memref_squeeze %dma_wait3A_454 : memref<1x112xf32, #tpu.memory_space<vmem>> -> memref<112xf32, #tpu.memory_space<vmem>>
    %dma_wait3A_456 = arith.constant 0 : i32
    %dma_wait3A_457 = tpu.memref_slice %arg11[%dma_wait3A_451, %dma_wait3A_456] : memref<8x112xi32, #tpu.memory_space<vmem>> -> memref<1x112xi32, #tpu.memory_space<vmem>>
    %dma_wait3A_458 = tpu.memref_squeeze %dma_wait3A_457 : memref<1x112xi32, #tpu.memory_space<vmem>> -> memref<112xi32, #tpu.memory_space<vmem>>
    %dma_wait3A_459 = arith.constant 0 : i32
    %dma_wait3A_460 = tpu.memref_slice %arg4[%dma_wait3A_459] : memref<10000000xf32, #tpu.memory_space<hbm>> -> memref<10000000xf32, #tpu.memory_space<hbm>>
    tpu.wait_indirect_dma semaphore(%arg21 : memref<!tpu.dma_semaphore, #tpu.memory_space<semaphore_mem>>) src(%dma_wait3A_460 : memref<10000000xf32, #tpu.memory_space<hbm>>) dst(%dma_wait3A_455 : memref<112xf32, #tpu.memory_space<vmem>>)
    %dma_wait3A_461 = arith.constant 3 : i32
    %dma_wait3A_462 = arith.constant 3 : i32
    %dma_wait3A_463 = arith.constant 0 : i32
    %dma_wait3A_464 = tpu.memref_slice %arg14[%dma_wait3A_462, %dma_wait3A_463] : memref<8x112xi32, #tpu.memory_space<vmem>> -> memref<1x112xi32, #tpu.memory_space<vmem>>
    %dma_wait3A_465 = tpu.memref_squeeze %dma_wait3A_464 : memref<1x112xi32, #tpu.memory_space<vmem>> -> memref<112xi32, #tpu.memory_space<vmem>>
    %dma_wait3A_466 = arith.constant 0 : i32
    %dma_wait3A_467 = tpu.memref_slice %arg11[%dma_wait3A_461, %dma_wait3A_466] : memref<8x112xi32, #tpu.memory_space<vmem>> -> memref<1x112xi32, #tpu.memory_space<vmem>>
    %dma_wait3A_468 = tpu.memref_squeeze %dma_wait3A_467 : memref<1x112xi32, #tpu.memory_space<vmem>> -> memref<112xi32, #tpu.memory_space<vmem>>
    %dma_wait3A_469 = arith.constant 0 : i32
    %dma_wait3A_470 = tpu.memref_slice %arg5[%dma_wait3A_469] : memref<10000000xi32, #tpu.memory_space<hbm>> -> memref<10000000xi32, #tpu.memory_space<hbm>>
    tpu.wait_indirect_dma semaphore(%arg22 : memref<!tpu.dma_semaphore, #tpu.memory_space<semaphore_mem>>) src(%dma_wait3A_470 : memref<10000000xi32, #tpu.memory_space<hbm>>) dst(%dma_wait3A_465 : memref<112xi32, #tpu.memory_space<vmem>>)
    %dma_wait3A_471 = arith.constant 3 : i32
    %dma_wait3A_472 = arith.constant 3 : i32
    %dma_wait3A_473 = arith.constant 0 : i32
    %dma_wait3A_474 = tpu.memref_slice %arg15[%dma_wait3A_472, %dma_wait3A_473] : memref<8x112xf32, #tpu.memory_space<vmem>> -> memref<1x112xf32, #tpu.memory_space<vmem>>
    %dma_wait3A_475 = tpu.memref_squeeze %dma_wait3A_474 : memref<1x112xf32, #tpu.memory_space<vmem>> -> memref<112xf32, #tpu.memory_space<vmem>>
    %dma_wait3A_476 = arith.constant 0 : i32
    %dma_wait3A_477 = tpu.memref_slice %arg11[%dma_wait3A_471, %dma_wait3A_476] : memref<8x112xi32, #tpu.memory_space<vmem>> -> memref<1x112xi32, #tpu.memory_space<vmem>>
    %dma_wait3A_478 = tpu.memref_squeeze %dma_wait3A_477 : memref<1x112xi32, #tpu.memory_space<vmem>> -> memref<112xi32, #tpu.memory_space<vmem>>
    %dma_wait3A_479 = arith.constant 0 : i32
    %dma_wait3A_480 = tpu.memref_slice %arg6[%dma_wait3A_479] : memref<10000000xf32, #tpu.memory_space<hbm>> -> memref<10000000xf32, #tpu.memory_space<hbm>>
    tpu.wait_indirect_dma semaphore(%arg23 : memref<!tpu.dma_semaphore, #tpu.memory_space<semaphore_mem>>) src(%dma_wait3A_480 : memref<10000000xf32, #tpu.memory_space<hbm>>) dst(%dma_wait3A_475 : memref<112xf32, #tpu.memory_space<vmem>>)
    %dma_wait3A_481 = arith.constant 4 : i32
    %dma_wait3A_482 = arith.constant 4 : i32
    %dma_wait3A_483 = arith.constant 0 : i32
    %dma_wait3A_484 = tpu.memref_slice %arg12[%dma_wait3A_482, %dma_wait3A_483] : memref<8x112xf32, #tpu.memory_space<vmem>> -> memref<1x112xf32, #tpu.memory_space<vmem>>
    %dma_wait3A_485 = tpu.memref_squeeze %dma_wait3A_484 : memref<1x112xf32, #tpu.memory_space<vmem>> -> memref<112xf32, #tpu.memory_space<vmem>>
    %dma_wait3A_486 = arith.constant 0 : i32
    %dma_wait3A_487 = tpu.memref_slice %arg11[%dma_wait3A_481, %dma_wait3A_486] : memref<8x112xi32, #tpu.memory_space<vmem>> -> memref<1x112xi32, #tpu.memory_space<vmem>>
    %dma_wait3A_488 = tpu.memref_squeeze %dma_wait3A_487 : memref<1x112xi32, #tpu.memory_space<vmem>> -> memref<112xi32, #tpu.memory_space<vmem>>
    %dma_wait3A_489 = arith.constant 0 : i32
    %dma_wait3A_490 = tpu.memref_slice %arg3[%dma_wait3A_489] : memref<10000000xf32, #tpu.memory_space<hbm>> -> memref<10000000xf32, #tpu.memory_space<hbm>>
    tpu.wait_indirect_dma semaphore(%arg20 : memref<!tpu.dma_semaphore, #tpu.memory_space<semaphore_mem>>) src(%dma_wait3A_490 : memref<10000000xf32, #tpu.memory_space<hbm>>) dst(%dma_wait3A_485 : memref<112xf32, #tpu.memory_space<vmem>>)
    %dma_wait3A_491 = arith.constant 4 : i32
    %dma_wait3A_492 = arith.constant 4 : i32
    %dma_wait3A_493 = arith.constant 0 : i32
    %dma_wait3A_494 = tpu.memref_slice %arg13[%dma_wait3A_492, %dma_wait3A_493] : memref<8x112xf32, #tpu.memory_space<vmem>> -> memref<1x112xf32, #tpu.memory_space<vmem>>
    %dma_wait3A_495 = tpu.memref_squeeze %dma_wait3A_494 : memref<1x112xf32, #tpu.memory_space<vmem>> -> memref<112xf32, #tpu.memory_space<vmem>>
    %dma_wait3A_496 = arith.constant 0 : i32
    %dma_wait3A_497 = tpu.memref_slice %arg11[%dma_wait3A_491, %dma_wait3A_496] : memref<8x112xi32, #tpu.memory_space<vmem>> -> memref<1x112xi32, #tpu.memory_space<vmem>>
    %dma_wait3A_498 = tpu.memref_squeeze %dma_wait3A_497 : memref<1x112xi32, #tpu.memory_space<vmem>> -> memref<112xi32, #tpu.memory_space<vmem>>
    %dma_wait3A_499 = arith.constant 0 : i32
    %dma_wait3A_500 = tpu.memref_slice %arg4[%dma_wait3A_499] : memref<10000000xf32, #tpu.memory_space<hbm>> -> memref<10000000xf32, #tpu.memory_space<hbm>>
    tpu.wait_indirect_dma semaphore(%arg21 : memref<!tpu.dma_semaphore, #tpu.memory_space<semaphore_mem>>) src(%dma_wait3A_500 : memref<10000000xf32, #tpu.memory_space<hbm>>) dst(%dma_wait3A_495 : memref<112xf32, #tpu.memory_space<vmem>>)
    %dma_wait3A_501 = arith.constant 4 : i32
    %dma_wait3A_502 = arith.constant 4 : i32
    %dma_wait3A_503 = arith.constant 0 : i32
    %dma_wait3A_504 = tpu.memref_slice %arg14[%dma_wait3A_502, %dma_wait3A_503] : memref<8x112xi32, #tpu.memory_space<vmem>> -> memref<1x112xi32, #tpu.memory_space<vmem>>
    %dma_wait3A_505 = tpu.memref_squeeze %dma_wait3A_504 : memref<1x112xi32, #tpu.memory_space<vmem>> -> memref<112xi32, #tpu.memory_space<vmem>>
    %dma_wait3A_506 = arith.constant 0 : i32
    %dma_wait3A_507 = tpu.memref_slice %arg11[%dma_wait3A_501, %dma_wait3A_506] : memref<8x112xi32, #tpu.memory_space<vmem>> -> memref<1x112xi32, #tpu.memory_space<vmem>>
    %dma_wait3A_508 = tpu.memref_squeeze %dma_wait3A_507 : memref<1x112xi32, #tpu.memory_space<vmem>> -> memref<112xi32, #tpu.memory_space<vmem>>
    %dma_wait3A_509 = arith.constant 0 : i32
    %dma_wait3A_510 = tpu.memref_slice %arg5[%dma_wait3A_509] : memref<10000000xi32, #tpu.memory_space<hbm>> -> memref<10000000xi32, #tpu.memory_space<hbm>>
    tpu.wait_indirect_dma semaphore(%arg22 : memref<!tpu.dma_semaphore, #tpu.memory_space<semaphore_mem>>) src(%dma_wait3A_510 : memref<10000000xi32, #tpu.memory_space<hbm>>) dst(%dma_wait3A_505 : memref<112xi32, #tpu.memory_space<vmem>>)
    %dma_wait3A_511 = arith.constant 4 : i32
    %dma_wait3A_512 = arith.constant 4 : i32
    %dma_wait3A_513 = arith.constant 0 : i32
    %dma_wait3A_514 = tpu.memref_slice %arg15[%dma_wait3A_512, %dma_wait3A_513] : memref<8x112xf32, #tpu.memory_space<vmem>> -> memref<1x112xf32, #tpu.memory_space<vmem>>
    %dma_wait3A_515 = tpu.memref_squeeze %dma_wait3A_514 : memref<1x112xf32, #tpu.memory_space<vmem>> -> memref<112xf32, #tpu.memory_space<vmem>>
    %dma_wait3A_516 = arith.constant 0 : i32
    %dma_wait3A_517 = tpu.memref_slice %arg11[%dma_wait3A_511, %dma_wait3A_516] : memref<8x112xi32, #tpu.memory_space<vmem>> -> memref<1x112xi32, #tpu.memory_space<vmem>>
    %dma_wait3A_518 = tpu.memref_squeeze %dma_wait3A_517 : memref<1x112xi32, #tpu.memory_space<vmem>> -> memref<112xi32, #tpu.memory_space<vmem>>
    %dma_wait3A_519 = arith.constant 0 : i32
    %dma_wait3A_520 = tpu.memref_slice %arg6[%dma_wait3A_519] : memref<10000000xf32, #tpu.memory_space<hbm>> -> memref<10000000xf32, #tpu.memory_space<hbm>>
    tpu.wait_indirect_dma semaphore(%arg23 : memref<!tpu.dma_semaphore, #tpu.memory_space<semaphore_mem>>) src(%dma_wait3A_520 : memref<10000000xf32, #tpu.memory_space<hbm>>) dst(%dma_wait3A_515 : memref<112xf32, #tpu.memory_space<vmem>>)
    %dma_wait3A_521 = arith.constant 5 : i32
    %dma_wait3A_522 = arith.constant 5 : i32
    %dma_wait3A_523 = arith.constant 0 : i32
    %dma_wait3A_524 = tpu.memref_slice %arg12[%dma_wait3A_522, %dma_wait3A_523] : memref<8x112xf32, #tpu.memory_space<vmem>> -> memref<1x112xf32, #tpu.memory_space<vmem>>
    %dma_wait3A_525 = tpu.memref_squeeze %dma_wait3A_524 : memref<1x112xf32, #tpu.memory_space<vmem>> -> memref<112xf32, #tpu.memory_space<vmem>>
    %dma_wait3A_526 = arith.constant 0 : i32
    %dma_wait3A_527 = tpu.memref_slice %arg11[%dma_wait3A_521, %dma_wait3A_526] : memref<8x112xi32, #tpu.memory_space<vmem>> -> memref<1x112xi32, #tpu.memory_space<vmem>>
    %dma_wait3A_528 = tpu.memref_squeeze %dma_wait3A_527 : memref<1x112xi32, #tpu.memory_space<vmem>> -> memref<112xi32, #tpu.memory_space<vmem>>
    %dma_wait3A_529 = arith.constant 0 : i32
    %dma_wait3A_530 = tpu.memref_slice %arg3[%dma_wait3A_529] : memref<10000000xf32, #tpu.memory_space<hbm>> -> memref<10000000xf32, #tpu.memory_space<hbm>>
    tpu.wait_indirect_dma semaphore(%arg20 : memref<!tpu.dma_semaphore, #tpu.memory_space<semaphore_mem>>) src(%dma_wait3A_530 : memref<10000000xf32, #tpu.memory_space<hbm>>) dst(%dma_wait3A_525 : memref<112xf32, #tpu.memory_space<vmem>>)
    %dma_wait3A_531 = arith.constant 5 : i32
    %dma_wait3A_532 = arith.constant 5 : i32
    %dma_wait3A_533 = arith.constant 0 : i32
    %dma_wait3A_534 = tpu.memref_slice %arg13[%dma_wait3A_532, %dma_wait3A_533] : memref<8x112xf32, #tpu.memory_space<vmem>> -> memref<1x112xf32, #tpu.memory_space<vmem>>
    %dma_wait3A_535 = tpu.memref_squeeze %dma_wait3A_534 : memref<1x112xf32, #tpu.memory_space<vmem>> -> memref<112xf32, #tpu.memory_space<vmem>>
    %dma_wait3A_536 = arith.constant 0 : i32
    %dma_wait3A_537 = tpu.memref_slice %arg11[%dma_wait3A_531, %dma_wait3A_536] : memref<8x112xi32, #tpu.memory_space<vmem>> -> memref<1x112xi32, #tpu.memory_space<vmem>>
    %dma_wait3A_538 = tpu.memref_squeeze %dma_wait3A_537 : memref<1x112xi32, #tpu.memory_space<vmem>> -> memref<112xi32, #tpu.memory_space<vmem>>
    %dma_wait3A_539 = arith.constant 0 : i32
    %dma_wait3A_540 = tpu.memref_slice %arg4[%dma_wait3A_539] : memref<10000000xf32, #tpu.memory_space<hbm>> -> memref<10000000xf32, #tpu.memory_space<hbm>>
    tpu.wait_indirect_dma semaphore(%arg21 : memref<!tpu.dma_semaphore, #tpu.memory_space<semaphore_mem>>) src(%dma_wait3A_540 : memref<10000000xf32, #tpu.memory_space<hbm>>) dst(%dma_wait3A_535 : memref<112xf32, #tpu.memory_space<vmem>>)
    %dma_wait3A_541 = arith.constant 5 : i32
    %dma_wait3A_542 = arith.constant 5 : i32
    %dma_wait3A_543 = arith.constant 0 : i32
    %dma_wait3A_544 = tpu.memref_slice %arg14[%dma_wait3A_542, %dma_wait3A_543] : memref<8x112xi32, #tpu.memory_space<vmem>> -> memref<1x112xi32, #tpu.memory_space<vmem>>
    %dma_wait3A_545 = tpu.memref_squeeze %dma_wait3A_544 : memref<1x112xi32, #tpu.memory_space<vmem>> -> memref<112xi32, #tpu.memory_space<vmem>>
    %dma_wait3A_546 = arith.constant 0 : i32
    %dma_wait3A_547 = tpu.memref_slice %arg11[%dma_wait3A_541, %dma_wait3A_546] : memref<8x112xi32, #tpu.memory_space<vmem>> -> memref<1x112xi32, #tpu.memory_space<vmem>>
    %dma_wait3A_548 = tpu.memref_squeeze %dma_wait3A_547 : memref<1x112xi32, #tpu.memory_space<vmem>> -> memref<112xi32, #tpu.memory_space<vmem>>
    %dma_wait3A_549 = arith.constant 0 : i32
    %dma_wait3A_550 = tpu.memref_slice %arg5[%dma_wait3A_549] : memref<10000000xi32, #tpu.memory_space<hbm>> -> memref<10000000xi32, #tpu.memory_space<hbm>>
    tpu.wait_indirect_dma semaphore(%arg22 : memref<!tpu.dma_semaphore, #tpu.memory_space<semaphore_mem>>) src(%dma_wait3A_550 : memref<10000000xi32, #tpu.memory_space<hbm>>) dst(%dma_wait3A_545 : memref<112xi32, #tpu.memory_space<vmem>>)
    %dma_wait3A_551 = arith.constant 5 : i32
    %dma_wait3A_552 = arith.constant 5 : i32
    %dma_wait3A_553 = arith.constant 0 : i32
    %dma_wait3A_554 = tpu.memref_slice %arg15[%dma_wait3A_552, %dma_wait3A_553] : memref<8x112xf32, #tpu.memory_space<vmem>> -> memref<1x112xf32, #tpu.memory_space<vmem>>
    %dma_wait3A_555 = tpu.memref_squeeze %dma_wait3A_554 : memref<1x112xf32, #tpu.memory_space<vmem>> -> memref<112xf32, #tpu.memory_space<vmem>>
    %dma_wait3A_556 = arith.constant 0 : i32
    %dma_wait3A_557 = tpu.memref_slice %arg11[%dma_wait3A_551, %dma_wait3A_556] : memref<8x112xi32, #tpu.memory_space<vmem>> -> memref<1x112xi32, #tpu.memory_space<vmem>>
    %dma_wait3A_558 = tpu.memref_squeeze %dma_wait3A_557 : memref<1x112xi32, #tpu.memory_space<vmem>> -> memref<112xi32, #tpu.memory_space<vmem>>
    %dma_wait3A_559 = arith.constant 0 : i32
    %dma_wait3A_560 = tpu.memref_slice %arg6[%dma_wait3A_559] : memref<10000000xf32, #tpu.memory_space<hbm>> -> memref<10000000xf32, #tpu.memory_space<hbm>>
    tpu.wait_indirect_dma semaphore(%arg23 : memref<!tpu.dma_semaphore, #tpu.memory_space<semaphore_mem>>) src(%dma_wait3A_560 : memref<10000000xf32, #tpu.memory_space<hbm>>) dst(%dma_wait3A_555 : memref<112xf32, #tpu.memory_space<vmem>>)
    %dma_wait3A_561 = arith.constant 6 : i32
    %dma_wait3A_562 = arith.constant 6 : i32
    %dma_wait3A_563 = arith.constant 0 : i32
    %dma_wait3A_564 = tpu.memref_slice %arg12[%dma_wait3A_562, %dma_wait3A_563] : memref<8x112xf32, #tpu.memory_space<vmem>> -> memref<1x112xf32, #tpu.memory_space<vmem>>
    %dma_wait3A_565 = tpu.memref_squeeze %dma_wait3A_564 : memref<1x112xf32, #tpu.memory_space<vmem>> -> memref<112xf32, #tpu.memory_space<vmem>>
    %dma_wait3A_566 = arith.constant 0 : i32
    %dma_wait3A_567 = tpu.memref_slice %arg11[%dma_wait3A_561, %dma_wait3A_566] : memref<8x112xi32, #tpu.memory_space<vmem>> -> memref<1x112xi32, #tpu.memory_space<vmem>>
    %dma_wait3A_568 = tpu.memref_squeeze %dma_wait3A_567 : memref<1x112xi32, #tpu.memory_space<vmem>> -> memref<112xi32, #tpu.memory_space<vmem>>
    %dma_wait3A_569 = arith.constant 0 : i32
    %dma_wait3A_570 = tpu.memref_slice %arg3[%dma_wait3A_569] : memref<10000000xf32, #tpu.memory_space<hbm>> -> memref<10000000xf32, #tpu.memory_space<hbm>>
    tpu.wait_indirect_dma semaphore(%arg20 : memref<!tpu.dma_semaphore, #tpu.memory_space<semaphore_mem>>) src(%dma_wait3A_570 : memref<10000000xf32, #tpu.memory_space<hbm>>) dst(%dma_wait3A_565 : memref<112xf32, #tpu.memory_space<vmem>>)
    %dma_wait3A_571 = arith.constant 6 : i32
    %dma_wait3A_572 = arith.constant 6 : i32
    %dma_wait3A_573 = arith.constant 0 : i32
    %dma_wait3A_574 = tpu.memref_slice %arg13[%dma_wait3A_572, %dma_wait3A_573] : memref<8x112xf32, #tpu.memory_space<vmem>> -> memref<1x112xf32, #tpu.memory_space<vmem>>
    %dma_wait3A_575 = tpu.memref_squeeze %dma_wait3A_574 : memref<1x112xf32, #tpu.memory_space<vmem>> -> memref<112xf32, #tpu.memory_space<vmem>>
    %dma_wait3A_576 = arith.constant 0 : i32
    %dma_wait3A_577 = tpu.memref_slice %arg11[%dma_wait3A_571, %dma_wait3A_576] : memref<8x112xi32, #tpu.memory_space<vmem>> -> memref<1x112xi32, #tpu.memory_space<vmem>>
    %dma_wait3A_578 = tpu.memref_squeeze %dma_wait3A_577 : memref<1x112xi32, #tpu.memory_space<vmem>> -> memref<112xi32, #tpu.memory_space<vmem>>
    %dma_wait3A_579 = arith.constant 0 : i32
    %dma_wait3A_580 = tpu.memref_slice %arg4[%dma_wait3A_579] : memref<10000000xf32, #tpu.memory_space<hbm>> -> memref<10000000xf32, #tpu.memory_space<hbm>>
    tpu.wait_indirect_dma semaphore(%arg21 : memref<!tpu.dma_semaphore, #tpu.memory_space<semaphore_mem>>) src(%dma_wait3A_580 : memref<10000000xf32, #tpu.memory_space<hbm>>) dst(%dma_wait3A_575 : memref<112xf32, #tpu.memory_space<vmem>>)
    %dma_wait3A_581 = arith.constant 6 : i32
    %dma_wait3A_582 = arith.constant 6 : i32
    %dma_wait3A_583 = arith.constant 0 : i32
    %dma_wait3A_584 = tpu.memref_slice %arg14[%dma_wait3A_582, %dma_wait3A_583] : memref<8x112xi32, #tpu.memory_space<vmem>> -> memref<1x112xi32, #tpu.memory_space<vmem>>
    %dma_wait3A_585 = tpu.memref_squeeze %dma_wait3A_584 : memref<1x112xi32, #tpu.memory_space<vmem>> -> memref<112xi32, #tpu.memory_space<vmem>>
    %dma_wait3A_586 = arith.constant 0 : i32
    %dma_wait3A_587 = tpu.memref_slice %arg11[%dma_wait3A_581, %dma_wait3A_586] : memref<8x112xi32, #tpu.memory_space<vmem>> -> memref<1x112xi32, #tpu.memory_space<vmem>>
    %dma_wait3A_588 = tpu.memref_squeeze %dma_wait3A_587 : memref<1x112xi32, #tpu.memory_space<vmem>> -> memref<112xi32, #tpu.memory_space<vmem>>
    %dma_wait3A_589 = arith.constant 0 : i32
    %dma_wait3A_590 = tpu.memref_slice %arg5[%dma_wait3A_589] : memref<10000000xi32, #tpu.memory_space<hbm>> -> memref<10000000xi32, #tpu.memory_space<hbm>>
    tpu.wait_indirect_dma semaphore(%arg22 : memref<!tpu.dma_semaphore, #tpu.memory_space<semaphore_mem>>) src(%dma_wait3A_590 : memref<10000000xi32, #tpu.memory_space<hbm>>) dst(%dma_wait3A_585 : memref<112xi32, #tpu.memory_space<vmem>>)
    %dma_wait3A_591 = arith.constant 6 : i32
    %dma_wait3A_592 = arith.constant 6 : i32
    %dma_wait3A_593 = arith.constant 0 : i32
    %dma_wait3A_594 = tpu.memref_slice %arg15[%dma_wait3A_592, %dma_wait3A_593] : memref<8x112xf32, #tpu.memory_space<vmem>> -> memref<1x112xf32, #tpu.memory_space<vmem>>
    %dma_wait3A_595 = tpu.memref_squeeze %dma_wait3A_594 : memref<1x112xf32, #tpu.memory_space<vmem>> -> memref<112xf32, #tpu.memory_space<vmem>>
    %dma_wait3A_596 = arith.constant 0 : i32
    %dma_wait3A_597 = tpu.memref_slice %arg11[%dma_wait3A_591, %dma_wait3A_596] : memref<8x112xi32, #tpu.memory_space<vmem>> -> memref<1x112xi32, #tpu.memory_space<vmem>>
    %dma_wait3A_598 = tpu.memref_squeeze %dma_wait3A_597 : memref<1x112xi32, #tpu.memory_space<vmem>> -> memref<112xi32, #tpu.memory_space<vmem>>
    %dma_wait3A_599 = arith.constant 0 : i32
    %dma_wait3A_600 = tpu.memref_slice %arg6[%dma_wait3A_599] : memref<10000000xf32, #tpu.memory_space<hbm>> -> memref<10000000xf32, #tpu.memory_space<hbm>>
    tpu.wait_indirect_dma semaphore(%arg23 : memref<!tpu.dma_semaphore, #tpu.memory_space<semaphore_mem>>) src(%dma_wait3A_600 : memref<10000000xf32, #tpu.memory_space<hbm>>) dst(%dma_wait3A_595 : memref<112xf32, #tpu.memory_space<vmem>>)
    %dma_wait3A_601 = arith.constant 7 : i32
    %dma_wait3A_602 = arith.constant 7 : i32
    %dma_wait3A_603 = arith.constant 0 : i32
    %dma_wait3A_604 = tpu.memref_slice %arg12[%dma_wait3A_602, %dma_wait3A_603] : memref<8x112xf32, #tpu.memory_space<vmem>> -> memref<1x112xf32, #tpu.memory_space<vmem>>
    %dma_wait3A_605 = tpu.memref_squeeze %dma_wait3A_604 : memref<1x112xf32, #tpu.memory_space<vmem>> -> memref<112xf32, #tpu.memory_space<vmem>>
    %dma_wait3A_606 = arith.constant 0 : i32
    %dma_wait3A_607 = tpu.memref_slice %arg11[%dma_wait3A_601, %dma_wait3A_606] : memref<8x112xi32, #tpu.memory_space<vmem>> -> memref<1x112xi32, #tpu.memory_space<vmem>>
    %dma_wait3A_608 = tpu.memref_squeeze %dma_wait3A_607 : memref<1x112xi32, #tpu.memory_space<vmem>> -> memref<112xi32, #tpu.memory_space<vmem>>
    %dma_wait3A_609 = arith.constant 0 : i32
    %dma_wait3A_610 = tpu.memref_slice %arg3[%dma_wait3A_609] : memref<10000000xf32, #tpu.memory_space<hbm>> -> memref<10000000xf32, #tpu.memory_space<hbm>>
    tpu.wait_indirect_dma semaphore(%arg20 : memref<!tpu.dma_semaphore, #tpu.memory_space<semaphore_mem>>) src(%dma_wait3A_610 : memref<10000000xf32, #tpu.memory_space<hbm>>) dst(%dma_wait3A_605 : memref<112xf32, #tpu.memory_space<vmem>>)
    %dma_wait3A_611 = arith.constant 7 : i32
    %dma_wait3A_612 = arith.constant 7 : i32
    %dma_wait3A_613 = arith.constant 0 : i32
    %dma_wait3A_614 = tpu.memref_slice %arg13[%dma_wait3A_612, %dma_wait3A_613] : memref<8x112xf32, #tpu.memory_space<vmem>> -> memref<1x112xf32, #tpu.memory_space<vmem>>
    %dma_wait3A_615 = tpu.memref_squeeze %dma_wait3A_614 : memref<1x112xf32, #tpu.memory_space<vmem>> -> memref<112xf32, #tpu.memory_space<vmem>>
    %dma_wait3A_616 = arith.constant 0 : i32
    %dma_wait3A_617 = tpu.memref_slice %arg11[%dma_wait3A_611, %dma_wait3A_616] : memref<8x112xi32, #tpu.memory_space<vmem>> -> memref<1x112xi32, #tpu.memory_space<vmem>>
    %dma_wait3A_618 = tpu.memref_squeeze %dma_wait3A_617 : memref<1x112xi32, #tpu.memory_space<vmem>> -> memref<112xi32, #tpu.memory_space<vmem>>
    %dma_wait3A_619 = arith.constant 0 : i32
    %dma_wait3A_620 = tpu.memref_slice %arg4[%dma_wait3A_619] : memref<10000000xf32, #tpu.memory_space<hbm>> -> memref<10000000xf32, #tpu.memory_space<hbm>>
    tpu.wait_indirect_dma semaphore(%arg21 : memref<!tpu.dma_semaphore, #tpu.memory_space<semaphore_mem>>) src(%dma_wait3A_620 : memref<10000000xf32, #tpu.memory_space<hbm>>) dst(%dma_wait3A_615 : memref<112xf32, #tpu.memory_space<vmem>>)
    %dma_wait3A_621 = arith.constant 7 : i32
    %dma_wait3A_622 = arith.constant 7 : i32
    %dma_wait3A_623 = arith.constant 0 : i32
    %dma_wait3A_624 = tpu.memref_slice %arg14[%dma_wait3A_622, %dma_wait3A_623] : memref<8x112xi32, #tpu.memory_space<vmem>> -> memref<1x112xi32, #tpu.memory_space<vmem>>
    %dma_wait3A_625 = tpu.memref_squeeze %dma_wait3A_624 : memref<1x112xi32, #tpu.memory_space<vmem>> -> memref<112xi32, #tpu.memory_space<vmem>>
    %dma_wait3A_626 = arith.constant 0 : i32
    %dma_wait3A_627 = tpu.memref_slice %arg11[%dma_wait3A_621, %dma_wait3A_626] : memref<8x112xi32, #tpu.memory_space<vmem>> -> memref<1x112xi32, #tpu.memory_space<vmem>>
    %dma_wait3A_628 = tpu.memref_squeeze %dma_wait3A_627 : memref<1x112xi32, #tpu.memory_space<vmem>> -> memref<112xi32, #tpu.memory_space<vmem>>
    %dma_wait3A_629 = arith.constant 0 : i32
    %dma_wait3A_630 = tpu.memref_slice %arg5[%dma_wait3A_629] : memref<10000000xi32, #tpu.memory_space<hbm>> -> memref<10000000xi32, #tpu.memory_space<hbm>>
    tpu.wait_indirect_dma semaphore(%arg22 : memref<!tpu.dma_semaphore, #tpu.memory_space<semaphore_mem>>) src(%dma_wait3A_630 : memref<10000000xi32, #tpu.memory_space<hbm>>) dst(%dma_wait3A_625 : memref<112xi32, #tpu.memory_space<vmem>>)
    %dma_wait3A_631 = arith.constant 7 : i32
    %dma_wait3A_632 = arith.constant 7 : i32
    %dma_wait3A_633 = arith.constant 0 : i32
    %dma_wait3A_634 = tpu.memref_slice %arg15[%dma_wait3A_632, %dma_wait3A_633] : memref<8x112xf32, #tpu.memory_space<vmem>> -> memref<1x112xf32, #tpu.memory_space<vmem>>
    %dma_wait3A_635 = tpu.memref_squeeze %dma_wait3A_634 : memref<1x112xf32, #tpu.memory_space<vmem>> -> memref<112xf32, #tpu.memory_space<vmem>>
    %dma_wait3A_636 = arith.constant 0 : i32
    %dma_wait3A_637 = tpu.memref_slice %arg11[%dma_wait3A_631, %dma_wait3A_636] : memref<8x112xi32, #tpu.memory_space<vmem>> -> memref<1x112xi32, #tpu.memory_space<vmem>>
    %dma_wait3A_638 = tpu.memref_squeeze %dma_wait3A_637 : memref<1x112xi32, #tpu.memory_space<vmem>> -> memref<112xi32, #tpu.memory_space<vmem>>
    %dma_wait3A_639 = arith.constant 0 : i32
    %dma_wait3A_640 = tpu.memref_slice %arg6[%dma_wait3A_639] : memref<10000000xf32, #tpu.memory_space<hbm>> -> memref<10000000xf32, #tpu.memory_space<hbm>>
    tpu.wait_indirect_dma semaphore(%arg23 : memref<!tpu.dma_semaphore, #tpu.memory_space<semaphore_mem>>) src(%dma_wait3A_640 : memref<10000000xf32, #tpu.memory_space<hbm>>) dst(%dma_wait3A_635 : memref<112xf32, #tpu.memory_space<vmem>>)
    %while3A = arith.constant 0 : i64
    %while3A_641 = arith.constant 0 : i32
    %while3A_642 = arith.constant 8 : i32
    %while3A_643 = arith.subi %while3A_642, %while3A_641 : i32
    %while3A_644 = arith.addi %while3A_641, %while3A_643 : i32
    %while3A_645 = arith.constant 1 : i32
    %while3A_646 = arith.divsi %while3A_643, %while3A_645 : i32
    %while3A_647 = arith.muli %while3A_646, %while3A_645 : i32
    %while3A_648 = arith.addi %while3A_641, %while3A_647 : i32
    %while3A_649 = arith.constant 1 : i32
    scf.for %while3A_651 = %while3A_641 to %while3A_648 step %while3A_649  : i32 {
      %broadcast_in_dim3A = vector.broadcast %while3A_651 : i32 to vector<16xi32>
      %get3A = arith.index_cast %while3A_651 : i32 to index
      %get3A_652 = arith.constant 0 : index
      %get3A_653 = tpu.vector_load %arg16[%get3A, %get3A_652] {strides = array<i32>} : memref<8x32xf32, #tpu.memory_space<vmem>>, vector<16xf32>,
      %get3A_654 = arith.index_cast %while3A_651 : i32 to index
      %get3A_655 = arith.constant 0 : index
      %get3A_656 = tpu.vector_load %arg17[%get3A_654, %get3A_655] {strides = array<i32>} : memref<8x32xf32, #tpu.memory_space<vmem>>, vector<16xf32>,
      %broadcast_in_dim3A_657 = arith.constant 0 : i32
      %broadcast_in_dim3A_658 = vector.broadcast %broadcast_in_dim3A_657 : i32 to vector<16xi32>
      %broadcast_in_dim3A_659 = arith.constant 99 : i32
      %broadcast_in_dim3A_660 = vector.broadcast %broadcast_in_dim3A_659 : i32 to vector<16xi32>
      %lt3A = arith.cmpi slt, %broadcast_in_dim3A_658, %broadcast_in_dim3A_660 : vector<16xi32>
      %add3A_661 = arith.addi %broadcast_in_dim3A_658, %broadcast_in_dim3A_660 : vector<16xi32>
      %shift_right_arithmetic3A = arith.constant 1 : i32
      %shift_right_arithmetic3A_662 = vector.broadcast %shift_right_arithmetic3A : i32 to vector<16xi32>
      %shift_right_arithmetic3A_663 = arith.shrsi %add3A_661, %shift_right_arithmetic3A_662 : vector<16xi32>
      %gather3A = tpu.vector_load_idx %arg12[%broadcast_in_dim3A, %shift_right_arithmetic3A_663] : memref<8x112xf32, #tpu.memory_space<vmem>>[vector<16xi32>, vector<16xi32>], vector<16xf32>,
      %gather3A_664 = tpu.vector_load_idx %arg13[%broadcast_in_dim3A, %shift_right_arithmetic3A_663] : memref<8x112xf32, #tpu.memory_space<vmem>>[vector<16xi32>, vector<16xi32>], vector<16xf32>,
      %lt3A_665 = arith.cmpf olt, %gather3A, %get3A_653 : vector<16xf32>
      %eq3A = arith.cmpf oeq, %gather3A, %get3A_653 : vector<16xf32>
      %lt3A_666 = arith.cmpf olt, %gather3A_664, %get3A_656 : vector<16xf32>
      %and3A = arith.andi %eq3A, %lt3A_666 : vector<16xi1>
      %or3A = arith.ori %lt3A_665, %and3A : vector<16xi1>
      %and3A_667 = arith.andi %lt3A, %or3A : vector<16xi1>
      %add3A_668 = arith.constant 1 : i32
      %add3A_669 = vector.broadcast %add3A_668 : i32 to vector<16xi32>
      %add3A_670 = arith.addi %shift_right_arithmetic3A_663, %add3A_669 : vector<16xi32>
      %select_n3A = arith.select %and3A_667, %add3A_670, %broadcast_in_dim3A_658 : vector<16xi1>, vector<16xi32>
      %not3A = arith.constant dense<true> : vector<16xi1>
      %not3A_671 = arith.xori %or3A, %not3A : vector<16xi1>
      %and3A_672 = arith.andi %lt3A, %not3A_671 : vector<16xi1>
      %select_n3A_673 = arith.select %and3A_672, %shift_right_arithmetic3A_663, %broadcast_in_dim3A_660 : vector<16xi1>, vector<16xi32>
      %lt3A_674 = arith.cmpi slt, %select_n3A, %select_n3A_673 : vector<16xi32>
      %add3A_675 = arith.addi %select_n3A, %select_n3A_673 : vector<16xi32>
      %shift_right_arithmetic3A_676 = arith.constant 1 : i32
      %shift_right_arithmetic3A_677 = vector.broadcast %shift_right_arithmetic3A_676 : i32 to vector<16xi32>
      %shift_right_arithmetic3A_678 = arith.shrsi %add3A_675, %shift_right_arithmetic3A_677 : vector<16xi32>
      %gather3A_679 = tpu.vector_load_idx %arg12[%broadcast_in_dim3A, %shift_right_arithmetic3A_678] : memref<8x112xf32, #tpu.memory_space<vmem>>[vector<16xi32>, vector<16xi32>], vector<16xf32>,
      %gather3A_680 = tpu.vector_load_idx %arg13[%broadcast_in_dim3A, %shift_right_arithmetic3A_678] : memref<8x112xf32, #tpu.memory_space<vmem>>[vector<16xi32>, vector<16xi32>], vector<16xf32>,
      %lt3A_681 = arith.cmpf olt, %gather3A_679, %get3A_653 : vector<16xf32>
      %eq3A_682 = arith.cmpf oeq, %gather3A_679, %get3A_653 : vector<16xf32>
      %lt3A_683 = arith.cmpf olt, %gather3A_680, %get3A_656 : vector<16xf32>
      %and3A_684 = arith.andi %eq3A_682, %lt3A_683 : vector<16xi1>
      %or3A_685 = arith.ori %lt3A_681, %and3A_684 : vector<16xi1>
      %and3A_686 = arith.andi %lt3A_674, %or3A_685 : vector<16xi1>
      %add3A_687 = arith.constant 1 : i32
      %add3A_688 = vector.broadcast %add3A_687 : i32 to vector<16xi32>
      %add3A_689 = arith.addi %shift_right_arithmetic3A_678, %add3A_688 : vector<16xi32>
      %select_n3A_690 = arith.select %and3A_686, %add3A_689, %select_n3A : vector<16xi1>, vector<16xi32>
      %not3A_691 = arith.constant dense<true> : vector<16xi1>
      %not3A_692 = arith.xori %or3A_685, %not3A_691 : vector<16xi1>
      %and3A_693 = arith.andi %lt3A_674, %not3A_692 : vector<16xi1>
      %select_n3A_694 = arith.select %and3A_693, %shift_right_arithmetic3A_678, %select_n3A_673 : vector<16xi1>, vector<16xi32>
      %lt3A_695 = arith.cmpi slt, %select_n3A_690, %select_n3A_694 : vector<16xi32>
      %add3A_696 = arith.addi %select_n3A_690, %select_n3A_694 : vector<16xi32>
      %shift_right_arithmetic3A_697 = arith.constant 1 : i32
      %shift_right_arithmetic3A_698 = vector.broadcast %shift_right_arithmetic3A_697 : i32 to vector<16xi32>
      %shift_right_arithmetic3A_699 = arith.shrsi %add3A_696, %shift_right_arithmetic3A_698 : vector<16xi32>
      %gather3A_700 = tpu.vector_load_idx %arg12[%broadcast_in_dim3A, %shift_right_arithmetic3A_699] : memref<8x112xf32, #tpu.memory_space<vmem>>[vector<16xi32>, vector<16xi32>], vector<16xf32>,
      %gather3A_701 = tpu.vector_load_idx %arg13[%broadcast_in_dim3A, %shift_right_arithmetic3A_699] : memref<8x112xf32, #tpu.memory_space<vmem>>[vector<16xi32>, vector<16xi32>], vector<16xf32>,
      %lt3A_702 = arith.cmpf olt, %gather3A_700, %get3A_653 : vector<16xf32>
      %eq3A_703 = arith.cmpf oeq, %gather3A_700, %get3A_653 : vector<16xf32>
      %lt3A_704 = arith.cmpf olt, %gather3A_701, %get3A_656 : vector<16xf32>
      %and3A_705 = arith.andi %eq3A_703, %lt3A_704 : vector<16xi1>
      %or3A_706 = arith.ori %lt3A_702, %and3A_705 : vector<16xi1>
      %and3A_707 = arith.andi %lt3A_695, %or3A_706 : vector<16xi1>
      %add3A_708 = arith.constant 1 : i32
      %add3A_709 = vector.broadcast %add3A_708 : i32 to vector<16xi32>
      %add3A_710 = arith.addi %shift_right_arithmetic3A_699, %add3A_709 : vector<16xi32>
      %select_n3A_711 = arith.select %and3A_707, %add3A_710, %select_n3A_690 : vector<16xi1>, vector<16xi32>
      %not3A_712 = arith.constant dense<true> : vector<16xi1>
      %not3A_713 = arith.xori %or3A_706, %not3A_712 : vector<16xi1>
      %and3A_714 = arith.andi %lt3A_695, %not3A_713 : vector<16xi1>
      %select_n3A_715 = arith.select %and3A_714, %shift_right_arithmetic3A_699, %select_n3A_694 : vector<16xi1>, vector<16xi32>
      %lt3A_716 = arith.cmpi slt, %select_n3A_711, %select_n3A_715 : vector<16xi32>
      %add3A_717 = arith.addi %select_n3A_711, %select_n3A_715 : vector<16xi32>
      %shift_right_arithmetic3A_718 = arith.constant 1 : i32
      %shift_right_arithmetic3A_719 = vector.broadcast %shift_right_arithmetic3A_718 : i32 to vector<16xi32>
      %shift_right_arithmetic3A_720 = arith.shrsi %add3A_717, %shift_right_arithmetic3A_719 : vector<16xi32>
      %gather3A_721 = tpu.vector_load_idx %arg12[%broadcast_in_dim3A, %shift_right_arithmetic3A_720] : memref<8x112xf32, #tpu.memory_space<vmem>>[vector<16xi32>, vector<16xi32>], vector<16xf32>,
      %gather3A_722 = tpu.vector_load_idx %arg13[%broadcast_in_dim3A, %shift_right_arithmetic3A_720] : memref<8x112xf32, #tpu.memory_space<vmem>>[vector<16xi32>, vector<16xi32>], vector<16xf32>,
      %lt3A_723 = arith.cmpf olt, %gather3A_721, %get3A_653 : vector<16xf32>
      %eq3A_724 = arith.cmpf oeq, %gather3A_721, %get3A_653 : vector<16xf32>
      %lt3A_725 = arith.cmpf olt, %gather3A_722, %get3A_656 : vector<16xf32>
      %and3A_726 = arith.andi %eq3A_724, %lt3A_725 : vector<16xi1>
      %or3A_727 = arith.ori %lt3A_723, %and3A_726 : vector<16xi1>
      %and3A_728 = arith.andi %lt3A_716, %or3A_727 : vector<16xi1>
      %add3A_729 = arith.constant 1 : i32
      %add3A_730 = vector.broadcast %add3A_729 : i32 to vector<16xi32>
      %add3A_731 = arith.addi %shift_right_arithmetic3A_720, %add3A_730 : vector<16xi32>
      %select_n3A_732 = arith.select %and3A_728, %add3A_731, %select_n3A_711 : vector<16xi1>, vector<16xi32>
      %not3A_733 = arith.constant dense<true> : vector<16xi1>
      %not3A_734 = arith.xori %or3A_727, %not3A_733 : vector<16xi1>
      %and3A_735 = arith.andi %lt3A_716, %not3A_734 : vector<16xi1>
      %select_n3A_736 = arith.select %and3A_735, %shift_right_arithmetic3A_720, %select_n3A_715 : vector<16xi1>, vector<16xi32>
      %lt3A_737 = arith.cmpi slt, %select_n3A_732, %select_n3A_736 : vector<16xi32>
      %add3A_738 = arith.addi %select_n3A_732, %select_n3A_736 : vector<16xi32>
      %shift_right_arithmetic3A_739 = arith.constant 1 : i32
      %shift_right_arithmetic3A_740 = vector.broadcast %shift_right_arithmetic3A_739 : i32 to vector<16xi32>
      %shift_right_arithmetic3A_741 = arith.shrsi %add3A_738, %shift_right_arithmetic3A_740 : vector<16xi32>
      %gather3A_742 = tpu.vector_load_idx %arg12[%broadcast_in_dim3A, %shift_right_arithmetic3A_741] : memref<8x112xf32, #tpu.memory_space<vmem>>[vector<16xi32>, vector<16xi32>], vector<16xf32>,
      %gather3A_743 = tpu.vector_load_idx %arg13[%broadcast_in_dim3A, %shift_right_arithmetic3A_741] : memref<8x112xf32, #tpu.memory_space<vmem>>[vector<16xi32>, vector<16xi32>], vector<16xf32>,
      %lt3A_744 = arith.cmpf olt, %gather3A_742, %get3A_653 : vector<16xf32>
      %eq3A_745 = arith.cmpf oeq, %gather3A_742, %get3A_653 : vector<16xf32>
      %lt3A_746 = arith.cmpf olt, %gather3A_743, %get3A_656 : vector<16xf32>
      %and3A_747 = arith.andi %eq3A_745, %lt3A_746 : vector<16xi1>
      %or3A_748 = arith.ori %lt3A_744, %and3A_747 : vector<16xi1>
      %and3A_749 = arith.andi %lt3A_737, %or3A_748 : vector<16xi1>
      %add3A_750 = arith.constant 1 : i32
      %add3A_751 = vector.broadcast %add3A_750 : i32 to vector<16xi32>
      %add3A_752 = arith.addi %shift_right_arithmetic3A_741, %add3A_751 : vector<16xi32>
      %select_n3A_753 = arith.select %and3A_749, %add3A_752, %select_n3A_732 : vector<16xi1>, vector<16xi32>
      %not3A_754 = arith.constant dense<true> : vector<16xi1>
      %not3A_755 = arith.xori %or3A_748, %not3A_754 : vector<16xi1>
      %and3A_756 = arith.andi %lt3A_737, %not3A_755 : vector<16xi1>
      %select_n3A_757 = arith.select %and3A_756, %shift_right_arithmetic3A_741, %select_n3A_736 : vector<16xi1>, vector<16xi32>
      %lt3A_758 = arith.cmpi slt, %select_n3A_753, %select_n3A_757 : vector<16xi32>
      %add3A_759 = arith.addi %select_n3A_753, %select_n3A_757 : vector<16xi32>
      %shift_right_arithmetic3A_760 = arith.constant 1 : i32
      %shift_right_arithmetic3A_761 = vector.broadcast %shift_right_arithmetic3A_760 : i32 to vector<16xi32>
      %shift_right_arithmetic3A_762 = arith.shrsi %add3A_759, %shift_right_arithmetic3A_761 : vector<16xi32>
      %gather3A_763 = tpu.vector_load_idx %arg12[%broadcast_in_dim3A, %shift_right_arithmetic3A_762] : memref<8x112xf32, #tpu.memory_space<vmem>>[vector<16xi32>, vector<16xi32>], vector<16xf32>,
      %gather3A_764 = tpu.vector_load_idx %arg13[%broadcast_in_dim3A, %shift_right_arithmetic3A_762] : memref<8x112xf32, #tpu.memory_space<vmem>>[vector<16xi32>, vector<16xi32>], vector<16xf32>,
      %lt3A_765 = arith.cmpf olt, %gather3A_763, %get3A_653 : vector<16xf32>
      %eq3A_766 = arith.cmpf oeq, %gather3A_763, %get3A_653 : vector<16xf32>
      %lt3A_767 = arith.cmpf olt, %gather3A_764, %get3A_656 : vector<16xf32>
      %and3A_768 = arith.andi %eq3A_766, %lt3A_767 : vector<16xi1>
      %or3A_769 = arith.ori %lt3A_765, %and3A_768 : vector<16xi1>
      %and3A_770 = arith.andi %lt3A_758, %or3A_769 : vector<16xi1>
      %add3A_771 = arith.constant 1 : i32
      %add3A_772 = vector.broadcast %add3A_771 : i32 to vector<16xi32>
      %add3A_773 = arith.addi %shift_right_arithmetic3A_762, %add3A_772 : vector<16xi32>
      %select_n3A_774 = arith.select %and3A_770, %add3A_773, %select_n3A_753 : vector<16xi1>, vector<16xi32>
      %not3A_775 = arith.constant dense<true> : vector<16xi1>
      %not3A_776 = arith.xori %or3A_769, %not3A_775 : vector<16xi1>
      %and3A_777 = arith.andi %lt3A_758, %not3A_776 : vector<16xi1>
      %select_n3A_778 = arith.select %and3A_777, %shift_right_arithmetic3A_762, %select_n3A_757 : vector<16xi1>, vector<16xi32>
      %lt3A_779 = arith.cmpi slt, %select_n3A_774, %select_n3A_778 : vector<16xi32>
      %add3A_780 = arith.addi %select_n3A_774, %select_n3A_778 : vector<16xi32>
      %shift_right_arithmetic3A_781 = arith.constant 1 : i32
      %shift_right_arithmetic3A_782 = vector.broadcast %shift_right_arithmetic3A_781 : i32 to vector<16xi32>
      %shift_right_arithmetic3A_783 = arith.shrsi %add3A_780, %shift_right_arithmetic3A_782 : vector<16xi32>
      %gather3A_784 = tpu.vector_load_idx %arg12[%broadcast_in_dim3A, %shift_right_arithmetic3A_783] : memref<8x112xf32, #tpu.memory_space<vmem>>[vector<16xi32>, vector<16xi32>], vector<16xf32>,
      %gather3A_785 = tpu.vector_load_idx %arg13[%broadcast_in_dim3A, %shift_right_arithmetic3A_783] : memref<8x112xf32, #tpu.memory_space<vmem>>[vector<16xi32>, vector<16xi32>], vector<16xf32>,
      %lt3A_786 = arith.cmpf olt, %gather3A_784, %get3A_653 : vector<16xf32>
      %eq3A_787 = arith.cmpf oeq, %gather3A_784, %get3A_653 : vector<16xf32>
      %lt3A_788 = arith.cmpf olt, %gather3A_785, %get3A_656 : vector<16xf32>
      %and3A_789 = arith.andi %eq3A_787, %lt3A_788 : vector<16xi1>
      %or3A_790 = arith.ori %lt3A_786, %and3A_789 : vector<16xi1>
      %and3A_791 = arith.andi %lt3A_779, %or3A_790 : vector<16xi1>
      %add3A_792 = arith.constant 1 : i32
      %add3A_793 = vector.broadcast %add3A_792 : i32 to vector<16xi32>
      %add3A_794 = arith.addi %shift_right_arithmetic3A_783, %add3A_793 : vector<16xi32>
      %select_n3A_795 = arith.select %and3A_791, %add3A_794, %select_n3A_774 : vector<16xi1>, vector<16xi32>
      %not3A_796 = arith.constant dense<true> : vector<16xi1>
      %not3A_797 = arith.xori %or3A_790, %not3A_796 : vector<16xi1>
      %and3A_798 = arith.andi %lt3A_779, %not3A_797 : vector<16xi1>
      %select_n3A_799 = arith.select %and3A_798, %shift_right_arithmetic3A_783, %select_n3A_778 : vector<16xi1>, vector<16xi32>
      %gather3A_800 = tpu.vector_load_idx %arg14[%broadcast_in_dim3A, %select_n3A_795] : memref<8x112xi32, #tpu.memory_space<vmem>>[vector<16xi32>, vector<16xi32>], vector<16xi32>,
      %swap3A = arith.index_cast %while3A_651 : i32 to index
      %swap3A_801 = arith.constant 0 : index
      %swap3A_802 = tpu.vector_load %arg18[%swap3A, %swap3A_801] {strides = array<i32>} : memref<8x32xi32, #tpu.memory_space<vmem>>, vector<16xi32>,
      tpu.vector_store %arg18[%swap3A, %swap3A_801], %gather3A_800 {strides = array<i32>} : memref<8x32xi32, #tpu.memory_space<vmem>>, vector<16xi32>,
      %gather3A_803 = tpu.vector_load_idx %arg15[%broadcast_in_dim3A, %select_n3A_795] : memref<8x112xf32, #tpu.memory_space<vmem>>[vector<16xi32>, vector<16xi32>], vector<16xf32>,
      %swap3A_804 = arith.index_cast %while3A_651 : i32 to index
      %swap3A_805 = arith.constant 0 : index
      %swap3A_806 = tpu.vector_load %arg19[%swap3A_804, %swap3A_805] {strides = array<i32>} : memref<8x32xf32, #tpu.memory_space<vmem>>, vector<16xf32>,
      tpu.vector_store %arg19[%swap3A_804, %swap3A_805], %gather3A_803 {strides = array<i32>} : memref<8x32xf32, #tpu.memory_space<vmem>>, vector<16xf32>,
      %get3A_807 = arith.index_cast %while3A_651 : i32 to index
      %get3A_808 = arith.constant 16 : index
      %get3A_809 = tpu.vector_load %arg16[%get3A_807, %get3A_808] {strides = array<i32>} : memref<8x32xf32, #tpu.memory_space<vmem>>, vector<16xf32>,
      %get3A_810 = arith.index_cast %while3A_651 : i32 to index
      %get3A_811 = arith.constant 16 : index
      %get3A_812 = tpu.vector_load %arg17[%get3A_810, %get3A_811] {strides = array<i32>} : memref<8x32xf32, #tpu.memory_space<vmem>>, vector<16xf32>,
      %broadcast_in_dim3A_813 = arith.constant 0 : i32
      %broadcast_in_dim3A_814 = vector.broadcast %broadcast_in_dim3A_813 : i32 to vector<16xi32>
      %broadcast_in_dim3A_815 = arith.constant 99 : i32
      %broadcast_in_dim3A_816 = vector.broadcast %broadcast_in_dim3A_815 : i32 to vector<16xi32>
      %lt3A_817 = arith.cmpi slt, %broadcast_in_dim3A_814, %broadcast_in_dim3A_816 : vector<16xi32>
      %add3A_818 = arith.addi %broadcast_in_dim3A_814, %broadcast_in_dim3A_816 : vector<16xi32>
      %shift_right_arithmetic3A_819 = arith.constant 1 : i32
      %shift_right_arithmetic3A_820 = vector.broadcast %shift_right_arithmetic3A_819 : i32 to vector<16xi32>
      %shift_right_arithmetic3A_821 = arith.shrsi %add3A_818, %shift_right_arithmetic3A_820 : vector<16xi32>
      %gather3A_822 = tpu.vector_load_idx %arg12[%broadcast_in_dim3A, %shift_right_arithmetic3A_821] : memref<8x112xf32, #tpu.memory_space<vmem>>[vector<16xi32>, vector<16xi32>], vector<16xf32>,
      %gather3A_823 = tpu.vector_load_idx %arg13[%broadcast_in_dim3A, %shift_right_arithmetic3A_821] : memref<8x112xf32, #tpu.memory_space<vmem>>[vector<16xi32>, vector<16xi32>], vector<16xf32>,
      %lt3A_824 = arith.cmpf olt, %gather3A_822, %get3A_809 : vector<16xf32>
      %eq3A_825 = arith.cmpf oeq, %gather3A_822, %get3A_809 : vector<16xf32>
      %lt3A_826 = arith.cmpf olt, %gather3A_823, %get3A_812 : vector<16xf32>
      %and3A_827 = arith.andi %eq3A_825, %lt3A_826 : vector<16xi1>
      %or3A_828 = arith.ori %lt3A_824, %and3A_827 : vector<16xi1>
      %and3A_829 = arith.andi %lt3A_817, %or3A_828 : vector<16xi1>
      %add3A_830 = arith.constant 1 : i32
      %add3A_831 = vector.broadcast %add3A_830 : i32 to vector<16xi32>
      %add3A_832 = arith.addi %shift_right_arithmetic3A_821, %add3A_831 : vector<16xi32>
      %select_n3A_833 = arith.select %and3A_829, %add3A_832, %broadcast_in_dim3A_814 : vector<16xi1>, vector<16xi32>
      %not3A_834 = arith.constant dense<true> : vector<16xi1>
      %not3A_835 = arith.xori %or3A_828, %not3A_834 : vector<16xi1>
      %and3A_836 = arith.andi %lt3A_817, %not3A_835 : vector<16xi1>
      %select_n3A_837 = arith.select %and3A_836, %shift_right_arithmetic3A_821, %broadcast_in_dim3A_816 : vector<16xi1>, vector<16xi32>
      %lt3A_838 = arith.cmpi slt, %select_n3A_833, %select_n3A_837 : vector<16xi32>
      %add3A_839 = arith.addi %select_n3A_833, %select_n3A_837 : vector<16xi32>
      %shift_right_arithmetic3A_840 = arith.constant 1 : i32
      %shift_right_arithmetic3A_841 = vector.broadcast %shift_right_arithmetic3A_840 : i32 to vector<16xi32>
      %shift_right_arithmetic3A_842 = arith.shrsi %add3A_839, %shift_right_arithmetic3A_841 : vector<16xi32>
      %gather3A_843 = tpu.vector_load_idx %arg12[%broadcast_in_dim3A, %shift_right_arithmetic3A_842] : memref<8x112xf32, #tpu.memory_space<vmem>>[vector<16xi32>, vector<16xi32>], vector<16xf32>,
      %gather3A_844 = tpu.vector_load_idx %arg13[%broadcast_in_dim3A, %shift_right_arithmetic3A_842] : memref<8x112xf32, #tpu.memory_space<vmem>>[vector<16xi32>, vector<16xi32>], vector<16xf32>,
      %lt3A_845 = arith.cmpf olt, %gather3A_843, %get3A_809 : vector<16xf32>
      %eq3A_846 = arith.cmpf oeq, %gather3A_843, %get3A_809 : vector<16xf32>
      %lt3A_847 = arith.cmpf olt, %gather3A_844, %get3A_812 : vector<16xf32>
      %and3A_848 = arith.andi %eq3A_846, %lt3A_847 : vector<16xi1>
      %or3A_849 = arith.ori %lt3A_845, %and3A_848 : vector<16xi1>
      %and3A_850 = arith.andi %lt3A_838, %or3A_849 : vector<16xi1>
      %add3A_851 = arith.constant 1 : i32
      %add3A_852 = vector.broadcast %add3A_851 : i32 to vector<16xi32>
      %add3A_853 = arith.addi %shift_right_arithmetic3A_842, %add3A_852 : vector<16xi32>
      %select_n3A_854 = arith.select %and3A_850, %add3A_853, %select_n3A_833 : vector<16xi1>, vector<16xi32>
      %not3A_855 = arith.constant dense<true> : vector<16xi1>
      %not3A_856 = arith.xori %or3A_849, %not3A_855 : vector<16xi1>
      %and3A_857 = arith.andi %lt3A_838, %not3A_856 : vector<16xi1>
      %select_n3A_858 = arith.select %and3A_857, %shift_right_arithmetic3A_842, %select_n3A_837 : vector<16xi1>, vector<16xi32>
      %lt3A_859 = arith.cmpi slt, %select_n3A_854, %select_n3A_858 : vector<16xi32>
      %add3A_860 = arith.addi %select_n3A_854, %select_n3A_858 : vector<16xi32>
      %shift_right_arithmetic3A_861 = arith.constant 1 : i32
      %shift_right_arithmetic3A_862 = vector.broadcast %shift_right_arithmetic3A_861 : i32 to vector<16xi32>
      %shift_right_arithmetic3A_863 = arith.shrsi %add3A_860, %shift_right_arithmetic3A_862 : vector<16xi32>
      %gather3A_864 = tpu.vector_load_idx %arg12[%broadcast_in_dim3A, %shift_right_arithmetic3A_863] : memref<8x112xf32, #tpu.memory_space<vmem>>[vector<16xi32>, vector<16xi32>], vector<16xf32>,
      %gather3A_865 = tpu.vector_load_idx %arg13[%broadcast_in_dim3A, %shift_right_arithmetic3A_863] : memref<8x112xf32, #tpu.memory_space<vmem>>[vector<16xi32>, vector<16xi32>], vector<16xf32>,
      %lt3A_866 = arith.cmpf olt, %gather3A_864, %get3A_809 : vector<16xf32>
      %eq3A_867 = arith.cmpf oeq, %gather3A_864, %get3A_809 : vector<16xf32>
      %lt3A_868 = arith.cmpf olt, %gather3A_865, %get3A_812 : vector<16xf32>
      %and3A_869 = arith.andi %eq3A_867, %lt3A_868 : vector<16xi1>
      %or3A_870 = arith.ori %lt3A_866, %and3A_869 : vector<16xi1>
      %and3A_871 = arith.andi %lt3A_859, %or3A_870 : vector<16xi1>
      %add3A_872 = arith.constant 1 : i32
      %add3A_873 = vector.broadcast %add3A_872 : i32 to vector<16xi32>
      %add3A_874 = arith.addi %shift_right_arithmetic3A_863, %add3A_873 : vector<16xi32>
      %select_n3A_875 = arith.select %and3A_871, %add3A_874, %select_n3A_854 : vector<16xi1>, vector<16xi32>
      %not3A_876 = arith.constant dense<true> : vector<16xi1>
      %not3A_877 = arith.xori %or3A_870, %not3A_876 : vector<16xi1>
      %and3A_878 = arith.andi %lt3A_859, %not3A_877 : vector<16xi1>
      %select_n3A_879 = arith.select %and3A_878, %shift_right_arithmetic3A_863, %select_n3A_858 : vector<16xi1>, vector<16xi32>
      %lt3A_880 = arith.cmpi slt, %select_n3A_875, %select_n3A_879 : vector<16xi32>
      %add3A_881 = arith.addi %select_n3A_875, %select_n3A_879 : vector<16xi32>
      %shift_right_arithmetic3A_882 = arith.constant 1 : i32
      %shift_right_arithmetic3A_883 = vector.broadcast %shift_right_arithmetic3A_882 : i32 to vector<16xi32>
      %shift_right_arithmetic3A_884 = arith.shrsi %add3A_881, %shift_right_arithmetic3A_883 : vector<16xi32>
      %gather3A_885 = tpu.vector_load_idx %arg12[%broadcast_in_dim3A, %shift_right_arithmetic3A_884] : memref<8x112xf32, #tpu.memory_space<vmem>>[vector<16xi32>, vector<16xi32>], vector<16xf32>,
      %gather3A_886 = tpu.vector_load_idx %arg13[%broadcast_in_dim3A, %shift_right_arithmetic3A_884] : memref<8x112xf32, #tpu.memory_space<vmem>>[vector<16xi32>, vector<16xi32>], vector<16xf32>,
      %lt3A_887 = arith.cmpf olt, %gather3A_885, %get3A_809 : vector<16xf32>
      %eq3A_888 = arith.cmpf oeq, %gather3A_885, %get3A_809 : vector<16xf32>
      %lt3A_889 = arith.cmpf olt, %gather3A_886, %get3A_812 : vector<16xf32>
      %and3A_890 = arith.andi %eq3A_888, %lt3A_889 : vector<16xi1>
      %or3A_891 = arith.ori %lt3A_887, %and3A_890 : vector<16xi1>
      %and3A_892 = arith.andi %lt3A_880, %or3A_891 : vector<16xi1>
      %add3A_893 = arith.constant 1 : i32
      %add3A_894 = vector.broadcast %add3A_893 : i32 to vector<16xi32>
      %add3A_895 = arith.addi %shift_right_arithmetic3A_884, %add3A_894 : vector<16xi32>
      %select_n3A_896 = arith.select %and3A_892, %add3A_895, %select_n3A_875 : vector<16xi1>, vector<16xi32>
      %not3A_897 = arith.constant dense<true> : vector<16xi1>
      %not3A_898 = arith.xori %or3A_891, %not3A_897 : vector<16xi1>
      %and3A_899 = arith.andi %lt3A_880, %not3A_898 : vector<16xi1>
      %select_n3A_900 = arith.select %and3A_899, %shift_right_arithmetic3A_884, %select_n3A_879 : vector<16xi1>, vector<16xi32>
      %lt3A_901 = arith.cmpi slt, %select_n3A_896, %select_n3A_900 : vector<16xi32>
      %add3A_902 = arith.addi %select_n3A_896, %select_n3A_900 : vector<16xi32>
      %shift_right_arithmetic3A_903 = arith.constant 1 : i32
      %shift_right_arithmetic3A_904 = vector.broadcast %shift_right_arithmetic3A_903 : i32 to vector<16xi32>
      %shift_right_arithmetic3A_905 = arith.shrsi %add3A_902, %shift_right_arithmetic3A_904 : vector<16xi32>
      %gather3A_906 = tpu.vector_load_idx %arg12[%broadcast_in_dim3A, %shift_right_arithmetic3A_905] : memref<8x112xf32, #tpu.memory_space<vmem>>[vector<16xi32>, vector<16xi32>], vector<16xf32>,
      %gather3A_907 = tpu.vector_load_idx %arg13[%broadcast_in_dim3A, %shift_right_arithmetic3A_905] : memref<8x112xf32, #tpu.memory_space<vmem>>[vector<16xi32>, vector<16xi32>], vector<16xf32>,
      %lt3A_908 = arith.cmpf olt, %gather3A_906, %get3A_809 : vector<16xf32>
      %eq3A_909 = arith.cmpf oeq, %gather3A_906, %get3A_809 : vector<16xf32>
      %lt3A_910 = arith.cmpf olt, %gather3A_907, %get3A_812 : vector<16xf32>
      %and3A_911 = arith.andi %eq3A_909, %lt3A_910 : vector<16xi1>
      %or3A_912 = arith.ori %lt3A_908, %and3A_911 : vector<16xi1>
      %and3A_913 = arith.andi %lt3A_901, %or3A_912 : vector<16xi1>
      %add3A_914 = arith.constant 1 : i32
      %add3A_915 = vector.broadcast %add3A_914 : i32 to vector<16xi32>
      %add3A_916 = arith.addi %shift_right_arithmetic3A_905, %add3A_915 : vector<16xi32>
      %select_n3A_917 = arith.select %and3A_913, %add3A_916, %select_n3A_896 : vector<16xi1>, vector<16xi32>
      %not3A_918 = arith.constant dense<true> : vector<16xi1>
      %not3A_919 = arith.xori %or3A_912, %not3A_918 : vector<16xi1>
      %and3A_920 = arith.andi %lt3A_901, %not3A_919 : vector<16xi1>
      %select_n3A_921 = arith.select %and3A_920, %shift_right_arithmetic3A_905, %select_n3A_900 : vector<16xi1>, vector<16xi32>
      %lt3A_922 = arith.cmpi slt, %select_n3A_917, %select_n3A_921 : vector<16xi32>
      %add3A_923 = arith.addi %select_n3A_917, %select_n3A_921 : vector<16xi32>
      %shift_right_arithmetic3A_924 = arith.constant 1 : i32
      %shift_right_arithmetic3A_925 = vector.broadcast %shift_right_arithmetic3A_924 : i32 to vector<16xi32>
      %shift_right_arithmetic3A_926 = arith.shrsi %add3A_923, %shift_right_arithmetic3A_925 : vector<16xi32>
      %gather3A_927 = tpu.vector_load_idx %arg12[%broadcast_in_dim3A, %shift_right_arithmetic3A_926] : memref<8x112xf32, #tpu.memory_space<vmem>>[vector<16xi32>, vector<16xi32>], vector<16xf32>,
      %gather3A_928 = tpu.vector_load_idx %arg13[%broadcast_in_dim3A, %shift_right_arithmetic3A_926] : memref<8x112xf32, #tpu.memory_space<vmem>>[vector<16xi32>, vector<16xi32>], vector<16xf32>,
      %lt3A_929 = arith.cmpf olt, %gather3A_927, %get3A_809 : vector<16xf32>
      %eq3A_930 = arith.cmpf oeq, %gather3A_927, %get3A_809 : vector<16xf32>
      %lt3A_931 = arith.cmpf olt, %gather3A_928, %get3A_812 : vector<16xf32>
      %and3A_932 = arith.andi %eq3A_930, %lt3A_931 : vector<16xi1>
      %or3A_933 = arith.ori %lt3A_929, %and3A_932 : vector<16xi1>
      %and3A_934 = arith.andi %lt3A_922, %or3A_933 : vector<16xi1>
      %add3A_935 = arith.constant 1 : i32
      %add3A_936 = vector.broadcast %add3A_935 : i32 to vector<16xi32>
      %add3A_937 = arith.addi %shift_right_arithmetic3A_926, %add3A_936 : vector<16xi32>
      %select_n3A_938 = arith.select %and3A_934, %add3A_937, %select_n3A_917 : vector<16xi1>, vector<16xi32>
      %not3A_939 = arith.constant dense<true> : vector<16xi1>
      %not3A_940 = arith.xori %or3A_933, %not3A_939 : vector<16xi1>
      %and3A_941 = arith.andi %lt3A_922, %not3A_940 : vector<16xi1>
      %select_n3A_942 = arith.select %and3A_941, %shift_right_arithmetic3A_926, %select_n3A_921 : vector<16xi1>, vector<16xi32>
      %lt3A_943 = arith.cmpi slt, %select_n3A_938, %select_n3A_942 : vector<16xi32>
      %add3A_944 = arith.addi %select_n3A_938, %select_n3A_942 : vector<16xi32>
      %shift_right_arithmetic3A_945 = arith.constant 1 : i32
      %shift_right_arithmetic3A_946 = vector.broadcast %shift_right_arithmetic3A_945 : i32 to vector<16xi32>
      %shift_right_arithmetic3A_947 = arith.shrsi %add3A_944, %shift_right_arithmetic3A_946 : vector<16xi32>
      %gather3A_948 = tpu.vector_load_idx %arg12[%broadcast_in_dim3A, %shift_right_arithmetic3A_947] : memref<8x112xf32, #tpu.memory_space<vmem>>[vector<16xi32>, vector<16xi32>], vector<16xf32>,
      %gather3A_949 = tpu.vector_load_idx %arg13[%broadcast_in_dim3A, %shift_right_arithmetic3A_947] : memref<8x112xf32, #tpu.memory_space<vmem>>[vector<16xi32>, vector<16xi32>], vector<16xf32>,
      %lt3A_950 = arith.cmpf olt, %gather3A_948, %get3A_809 : vector<16xf32>
      %eq3A_951 = arith.cmpf oeq, %gather3A_948, %get3A_809 : vector<16xf32>
      %lt3A_952 = arith.cmpf olt, %gather3A_949, %get3A_812 : vector<16xf32>
      %and3A_953 = arith.andi %eq3A_951, %lt3A_952 : vector<16xi1>
      %or3A_954 = arith.ori %lt3A_950, %and3A_953 : vector<16xi1>
      %and3A_955 = arith.andi %lt3A_943, %or3A_954 : vector<16xi1>
      %add3A_956 = arith.constant 1 : i32
      %add3A_957 = vector.broadcast %add3A_956 : i32 to vector<16xi32>
      %add3A_958 = arith.addi %shift_right_arithmetic3A_947, %add3A_957 : vector<16xi32>
      %select_n3A_959 = arith.select %and3A_955, %add3A_958, %select_n3A_938 : vector<16xi1>, vector<16xi32>
      %not3A_960 = arith.constant dense<true> : vector<16xi1>
      %not3A_961 = arith.xori %or3A_954, %not3A_960 : vector<16xi1>
      %and3A_962 = arith.andi %lt3A_943, %not3A_961 : vector<16xi1>
      %select_n3A_963 = arith.select %and3A_962, %shift_right_arithmetic3A_947, %select_n3A_942 : vector<16xi1>, vector<16xi32>
      %gather3A_964 = tpu.vector_load_idx %arg14[%broadcast_in_dim3A, %select_n3A_959] : memref<8x112xi32, #tpu.memory_space<vmem>>[vector<16xi32>, vector<16xi32>], vector<16xi32>,
      %swap3A_965 = arith.index_cast %while3A_651 : i32 to index
      %swap3A_966 = arith.constant 16 : index
      %swap3A_967 = tpu.vector_load %arg18[%swap3A_965, %swap3A_966] {strides = array<i32>} : memref<8x32xi32, #tpu.memory_space<vmem>>, vector<16xi32>,
      tpu.vector_store %arg18[%swap3A_965, %swap3A_966], %gather3A_964 {strides = array<i32>} : memref<8x32xi32, #tpu.memory_space<vmem>>, vector<16xi32>,
      %gather3A_968 = tpu.vector_load_idx %arg15[%broadcast_in_dim3A, %select_n3A_959] : memref<8x112xf32, #tpu.memory_space<vmem>>[vector<16xi32>, vector<16xi32>], vector<16xf32>,
      %swap3A_969 = arith.index_cast %while3A_651 : i32 to index
      %swap3A_970 = arith.constant 16 : index
      %swap3A_971 = tpu.vector_load %arg19[%swap3A_969, %swap3A_970] {strides = array<i32>} : memref<8x32xf32, #tpu.memory_space<vmem>>, vector<16xf32>,
      tpu.vector_store %arg19[%swap3A_969, %swap3A_970], %gather3A_968 {strides = array<i32>} : memref<8x32xf32, #tpu.memory_space<vmem>>, vector<16xf32>,
    }
    %while3A_650 = arith.constant 1 : i32
    scf.for %while3A_651 = %while3A_648 to %while3A_644 step %while3A_650  : i32 {
      %broadcast_in_dim3A = vector.broadcast %while3A_651 : i32 to vector<16xi32>
      %get3A = arith.index_cast %while3A_651 : i32 to index
      %get3A_652 = arith.constant 0 : index
      %get3A_653 = tpu.vector_load %arg16[%get3A, %get3A_652] {strides = array<i32>} : memref<8x32xf32, #tpu.memory_space<vmem>>, vector<16xf32>,
      %get3A_654 = arith.index_cast %while3A_651 : i32 to index
      %get3A_655 = arith.constant 0 : index
      %get3A_656 = tpu.vector_load %arg17[%get3A_654, %get3A_655] {strides = array<i32>} : memref<8x32xf32, #tpu.memory_space<vmem>>, vector<16xf32>,
      %broadcast_in_dim3A_657 = arith.constant 0 : i32
      %broadcast_in_dim3A_658 = vector.broadcast %broadcast_in_dim3A_657 : i32 to vector<16xi32>
      %broadcast_in_dim3A_659 = arith.constant 99 : i32
      %broadcast_in_dim3A_660 = vector.broadcast %broadcast_in_dim3A_659 : i32 to vector<16xi32>
      %lt3A = arith.cmpi slt, %broadcast_in_dim3A_658, %broadcast_in_dim3A_660 : vector<16xi32>
      %add3A_661 = arith.addi %broadcast_in_dim3A_658, %broadcast_in_dim3A_660 : vector<16xi32>
      %shift_right_arithmetic3A = arith.constant 1 : i32
      %shift_right_arithmetic3A_662 = vector.broadcast %shift_right_arithmetic3A : i32 to vector<16xi32>
      %shift_right_arithmetic3A_663 = arith.shrsi %add3A_661, %shift_right_arithmetic3A_662 : vector<16xi32>
      %gather3A = tpu.vector_load_idx %arg12[%broadcast_in_dim3A, %shift_right_arithmetic3A_663] : memref<8x112xf32, #tpu.memory_space<vmem>>[vector<16xi32>, vector<16xi32>], vector<16xf32>,
      %gather3A_664 = tpu.vector_load_idx %arg13[%broadcast_in_dim3A, %shift_right_arithmetic3A_663] : memref<8x112xf32, #tpu.memory_space<vmem>>[vector<16xi32>, vector<16xi32>], vector<16xf32>,
      %lt3A_665 = arith.cmpf olt, %gather3A, %get3A_653 : vector<16xf32>
      %eq3A = arith.cmpf oeq, %gather3A, %get3A_653 : vector<16xf32>
      %lt3A_666 = arith.cmpf olt, %gather3A_664, %get3A_656 : vector<16xf32>
      %and3A = arith.andi %eq3A, %lt3A_666 : vector<16xi1>
      %or3A = arith.ori %lt3A_665, %and3A : vector<16xi1>
      %and3A_667 = arith.andi %lt3A, %or3A : vector<16xi1>
      %add3A_668 = arith.constant 1 : i32
      %add3A_669 = vector.broadcast %add3A_668 : i32 to vector<16xi32>
      %add3A_670 = arith.addi %shift_right_arithmetic3A_663, %add3A_669 : vector<16xi32>
      %select_n3A = arith.select %and3A_667, %add3A_670, %broadcast_in_dim3A_658 : vector<16xi1>, vector<16xi32>
      %not3A = arith.constant dense<true> : vector<16xi1>
      %not3A_671 = arith.xori %or3A, %not3A : vector<16xi1>
      %and3A_672 = arith.andi %lt3A, %not3A_671 : vector<16xi1>
      %select_n3A_673 = arith.select %and3A_672, %shift_right_arithmetic3A_663, %broadcast_in_dim3A_660 : vector<16xi1>, vector<16xi32>
      %lt3A_674 = arith.cmpi slt, %select_n3A, %select_n3A_673 : vector<16xi32>
      %add3A_675 = arith.addi %select_n3A, %select_n3A_673 : vector<16xi32>
      %shift_right_arithmetic3A_676 = arith.constant 1 : i32
      %shift_right_arithmetic3A_677 = vector.broadcast %shift_right_arithmetic3A_676 : i32 to vector<16xi32>
      %shift_right_arithmetic3A_678 = arith.shrsi %add3A_675, %shift_right_arithmetic3A_677 : vector<16xi32>
      %gather3A_679 = tpu.vector_load_idx %arg12[%broadcast_in_dim3A, %shift_right_arithmetic3A_678] : memref<8x112xf32, #tpu.memory_space<vmem>>[vector<16xi32>, vector<16xi32>], vector<16xf32>,
      %gather3A_680 = tpu.vector_load_idx %arg13[%broadcast_in_dim3A, %shift_right_arithmetic3A_678] : memref<8x112xf32, #tpu.memory_space<vmem>>[vector<16xi32>, vector<16xi32>], vector<16xf32>,
      %lt3A_681 = arith.cmpf olt, %gather3A_679, %get3A_653 : vector<16xf32>
      %eq3A_682 = arith.cmpf oeq, %gather3A_679, %get3A_653 : vector<16xf32>
      %lt3A_683 = arith.cmpf olt, %gather3A_680, %get3A_656 : vector<16xf32>
      %and3A_684 = arith.andi %eq3A_682, %lt3A_683 : vector<16xi1>
      %or3A_685 = arith.ori %lt3A_681, %and3A_684 : vector<16xi1>
      %and3A_686 = arith.andi %lt3A_674, %or3A_685 : vector<16xi1>
      %add3A_687 = arith.constant 1 : i32
      %add3A_688 = vector.broadcast %add3A_687 : i32 to vector<16xi32>
      %add3A_689 = arith.addi %shift_right_arithmetic3A_678, %add3A_688 : vector<16xi32>
      %select_n3A_690 = arith.select %and3A_686, %add3A_689, %select_n3A : vector<16xi1>, vector<16xi32>
      %not3A_691 = arith.constant dense<true> : vector<16xi1>
      %not3A_692 = arith.xori %or3A_685, %not3A_691 : vector<16xi1>
      %and3A_693 = arith.andi %lt3A_674, %not3A_692 : vector<16xi1>
      %select_n3A_694 = arith.select %and3A_693, %shift_right_arithmetic3A_678, %select_n3A_673 : vector<16xi1>, vector<16xi32>
      %lt3A_695 = arith.cmpi slt, %select_n3A_690, %select_n3A_694 : vector<16xi32>
      %add3A_696 = arith.addi %select_n3A_690, %select_n3A_694 : vector<16xi32>
      %shift_right_arithmetic3A_697 = arith.constant 1 : i32
      %shift_right_arithmetic3A_698 = vector.broadcast %shift_right_arithmetic3A_697 : i32 to vector<16xi32>
      %shift_right_arithmetic3A_699 = arith.shrsi %add3A_696, %shift_right_arithmetic3A_698 : vector<16xi32>
      %gather3A_700 = tpu.vector_load_idx %arg12[%broadcast_in_dim3A, %shift_right_arithmetic3A_699] : memref<8x112xf32, #tpu.memory_space<vmem>>[vector<16xi32>, vector<16xi32>], vector<16xf32>,
      %gather3A_701 = tpu.vector_load_idx %arg13[%broadcast_in_dim3A, %shift_right_arithmetic3A_699] : memref<8x112xf32, #tpu.memory_space<vmem>>[vector<16xi32>, vector<16xi32>], vector<16xf32>,
      %lt3A_702 = arith.cmpf olt, %gather3A_700, %get3A_653 : vector<16xf32>
      %eq3A_703 = arith.cmpf oeq, %gather3A_700, %get3A_653 : vector<16xf32>
      %lt3A_704 = arith.cmpf olt, %gather3A_701, %get3A_656 : vector<16xf32>
      %and3A_705 = arith.andi %eq3A_703, %lt3A_704 : vector<16xi1>
      %or3A_706 = arith.ori %lt3A_702, %and3A_705 : vector<16xi1>
      %and3A_707 = arith.andi %lt3A_695, %or3A_706 : vector<16xi1>
      %add3A_708 = arith.constant 1 : i32
      %add3A_709 = vector.broadcast %add3A_708 : i32 to vector<16xi32>
      %add3A_710 = arith.addi %shift_right_arithmetic3A_699, %add3A_709 : vector<16xi32>
      %select_n3A_711 = arith.select %and3A_707, %add3A_710, %select_n3A_690 : vector<16xi1>, vector<16xi32>
      %not3A_712 = arith.constant dense<true> : vector<16xi1>
      %not3A_713 = arith.xori %or3A_706, %not3A_712 : vector<16xi1>
      %and3A_714 = arith.andi %lt3A_695, %not3A_713 : vector<16xi1>
      %select_n3A_715 = arith.select %and3A_714, %shift_right_arithmetic3A_699, %select_n3A_694 : vector<16xi1>, vector<16xi32>
      %lt3A_716 = arith.cmpi slt, %select_n3A_711, %select_n3A_715 : vector<16xi32>
      %add3A_717 = arith.addi %select_n3A_711, %select_n3A_715 : vector<16xi32>
      %shift_right_arithmetic3A_718 = arith.constant 1 : i32
      %shift_right_arithmetic3A_719 = vector.broadcast %shift_right_arithmetic3A_718 : i32 to vector<16xi32>
      %shift_right_arithmetic3A_720 = arith.shrsi %add3A_717, %shift_right_arithmetic3A_719 : vector<16xi32>
      %gather3A_721 = tpu.vector_load_idx %arg12[%broadcast_in_dim3A, %shift_right_arithmetic3A_720] : memref<8x112xf32, #tpu.memory_space<vmem>>[vector<16xi32>, vector<16xi32>], vector<16xf32>,
      %gather3A_722 = tpu.vector_load_idx %arg13[%broadcast_in_dim3A, %shift_right_arithmetic3A_720] : memref<8x112xf32, #tpu.memory_space<vmem>>[vector<16xi32>, vector<16xi32>], vector<16xf32>,
      %lt3A_723 = arith.cmpf olt, %gather3A_721, %get3A_653 : vector<16xf32>
      %eq3A_724 = arith.cmpf oeq, %gather3A_721, %get3A_653 : vector<16xf32>
      %lt3A_725 = arith.cmpf olt, %gather3A_722, %get3A_656 : vector<16xf32>
      %and3A_726 = arith.andi %eq3A_724, %lt3A_725 : vector<16xi1>
      %or3A_727 = arith.ori %lt3A_723, %and3A_726 : vector<16xi1>
      %and3A_728 = arith.andi %lt3A_716, %or3A_727 : vector<16xi1>
      %add3A_729 = arith.constant 1 : i32
      %add3A_730 = vector.broadcast %add3A_729 : i32 to vector<16xi32>
      %add3A_731 = arith.addi %shift_right_arithmetic3A_720, %add3A_730 : vector<16xi32>
      %select_n3A_732 = arith.select %and3A_728, %add3A_731, %select_n3A_711 : vector<16xi1>, vector<16xi32>
      %not3A_733 = arith.constant dense<true> : vector<16xi1>
      %not3A_734 = arith.xori %or3A_727, %not3A_733 : vector<16xi1>
      %and3A_735 = arith.andi %lt3A_716, %not3A_734 : vector<16xi1>
      %select_n3A_736 = arith.select %and3A_735, %shift_right_arithmetic3A_720, %select_n3A_715 : vector<16xi1>, vector<16xi32>
      %lt3A_737 = arith.cmpi slt, %select_n3A_732, %select_n3A_736 : vector<16xi32>
      %add3A_738 = arith.addi %select_n3A_732, %select_n3A_736 : vector<16xi32>
      %shift_right_arithmetic3A_739 = arith.constant 1 : i32
      %shift_right_arithmetic3A_740 = vector.broadcast %shift_right_arithmetic3A_739 : i32 to vector<16xi32>
      %shift_right_arithmetic3A_741 = arith.shrsi %add3A_738, %shift_right_arithmetic3A_740 : vector<16xi32>
      %gather3A_742 = tpu.vector_load_idx %arg12[%broadcast_in_dim3A, %shift_right_arithmetic3A_741] : memref<8x112xf32, #tpu.memory_space<vmem>>[vector<16xi32>, vector<16xi32>], vector<16xf32>,
      %gather3A_743 = tpu.vector_load_idx %arg13[%broadcast_in_dim3A, %shift_right_arithmetic3A_741] : memref<8x112xf32, #tpu.memory_space<vmem>>[vector<16xi32>, vector<16xi32>], vector<16xf32>,
      %lt3A_744 = arith.cmpf olt, %gather3A_742, %get3A_653 : vector<16xf32>
      %eq3A_745 = arith.cmpf oeq, %gather3A_742, %get3A_653 : vector<16xf32>
      %lt3A_746 = arith.cmpf olt, %gather3A_743, %get3A_656 : vector<16xf32>
      %and3A_747 = arith.andi %eq3A_745, %lt3A_746 : vector<16xi1>
      %or3A_748 = arith.ori %lt3A_744, %and3A_747 : vector<16xi1>
      %and3A_749 = arith.andi %lt3A_737, %or3A_748 : vector<16xi1>
      %add3A_750 = arith.constant 1 : i32
      %add3A_751 = vector.broadcast %add3A_750 : i32 to vector<16xi32>
      %add3A_752 = arith.addi %shift_right_arithmetic3A_741, %add3A_751 : vector<16xi32>
      %select_n3A_753 = arith.select %and3A_749, %add3A_752, %select_n3A_732 : vector<16xi1>, vector<16xi32>
      %not3A_754 = arith.constant dense<true> : vector<16xi1>
      %not3A_755 = arith.xori %or3A_748, %not3A_754 : vector<16xi1>
      %and3A_756 = arith.andi %lt3A_737, %not3A_755 : vector<16xi1>
      %select_n3A_757 = arith.select %and3A_756, %shift_right_arithmetic3A_741, %select_n3A_736 : vector<16xi1>, vector<16xi32>
      %lt3A_758 = arith.cmpi slt, %select_n3A_753, %select_n3A_757 : vector<16xi32>
      %add3A_759 = arith.addi %select_n3A_753, %select_n3A_757 : vector<16xi32>
      %shift_right_arithmetic3A_760 = arith.constant 1 : i32
      %shift_right_arithmetic3A_761 = vector.broadcast %shift_right_arithmetic3A_760 : i32 to vector<16xi32>
      %shift_right_arithmetic3A_762 = arith.shrsi %add3A_759, %shift_right_arithmetic3A_761 : vector<16xi32>
      %gather3A_763 = tpu.vector_load_idx %arg12[%broadcast_in_dim3A, %shift_right_arithmetic3A_762] : memref<8x112xf32, #tpu.memory_space<vmem>>[vector<16xi32>, vector<16xi32>], vector<16xf32>,
      %gather3A_764 = tpu.vector_load_idx %arg13[%broadcast_in_dim3A, %shift_right_arithmetic3A_762] : memref<8x112xf32, #tpu.memory_space<vmem>>[vector<16xi32>, vector<16xi32>], vector<16xf32>,
      %lt3A_765 = arith.cmpf olt, %gather3A_763, %get3A_653 : vector<16xf32>
      %eq3A_766 = arith.cmpf oeq, %gather3A_763, %get3A_653 : vector<16xf32>
      %lt3A_767 = arith.cmpf olt, %gather3A_764, %get3A_656 : vector<16xf32>
      %and3A_768 = arith.andi %eq3A_766, %lt3A_767 : vector<16xi1>
      %or3A_769 = arith.ori %lt3A_765, %and3A_768 : vector<16xi1>
      %and3A_770 = arith.andi %lt3A_758, %or3A_769 : vector<16xi1>
      %add3A_771 = arith.constant 1 : i32
      %add3A_772 = vector.broadcast %add3A_771 : i32 to vector<16xi32>
      %add3A_773 = arith.addi %shift_right_arithmetic3A_762, %add3A_772 : vector<16xi32>
      %select_n3A_774 = arith.select %and3A_770, %add3A_773, %select_n3A_753 : vector<16xi1>, vector<16xi32>
      %not3A_775 = arith.constant dense<true> : vector<16xi1>
      %not3A_776 = arith.xori %or3A_769, %not3A_775 : vector<16xi1>
      %and3A_777 = arith.andi %lt3A_758, %not3A_776 : vector<16xi1>
      %select_n3A_778 = arith.select %and3A_777, %shift_right_arithmetic3A_762, %select_n3A_757 : vector<16xi1>, vector<16xi32>
      %lt3A_779 = arith.cmpi slt, %select_n3A_774, %select_n3A_778 : vector<16xi32>
      %add3A_780 = arith.addi %select_n3A_774, %select_n3A_778 : vector<16xi32>
      %shift_right_arithmetic3A_781 = arith.constant 1 : i32
      %shift_right_arithmetic3A_782 = vector.broadcast %shift_right_arithmetic3A_781 : i32 to vector<16xi32>
      %shift_right_arithmetic3A_783 = arith.shrsi %add3A_780, %shift_right_arithmetic3A_782 : vector<16xi32>
      %gather3A_784 = tpu.vector_load_idx %arg12[%broadcast_in_dim3A, %shift_right_arithmetic3A_783] : memref<8x112xf32, #tpu.memory_space<vmem>>[vector<16xi32>, vector<16xi32>], vector<16xf32>,
      %gather3A_785 = tpu.vector_load_idx %arg13[%broadcast_in_dim3A, %shift_right_arithmetic3A_783] : memref<8x112xf32, #tpu.memory_space<vmem>>[vector<16xi32>, vector<16xi32>], vector<16xf32>,
      %lt3A_786 = arith.cmpf olt, %gather3A_784, %get3A_653 : vector<16xf32>
      %eq3A_787 = arith.cmpf oeq, %gather3A_784, %get3A_653 : vector<16xf32>
      %lt3A_788 = arith.cmpf olt, %gather3A_785, %get3A_656 : vector<16xf32>
      %and3A_789 = arith.andi %eq3A_787, %lt3A_788 : vector<16xi1>
      %or3A_790 = arith.ori %lt3A_786, %and3A_789 : vector<16xi1>
      %and3A_791 = arith.andi %lt3A_779, %or3A_790 : vector<16xi1>
      %add3A_792 = arith.constant 1 : i32
      %add3A_793 = vector.broadcast %add3A_792 : i32 to vector<16xi32>
      %add3A_794 = arith.addi %shift_right_arithmetic3A_783, %add3A_793 : vector<16xi32>
      %select_n3A_795 = arith.select %and3A_791, %add3A_794, %select_n3A_774 : vector<16xi1>, vector<16xi32>
      %not3A_796 = arith.constant dense<true> : vector<16xi1>
      %not3A_797 = arith.xori %or3A_790, %not3A_796 : vector<16xi1>
      %and3A_798 = arith.andi %lt3A_779, %not3A_797 : vector<16xi1>
      %select_n3A_799 = arith.select %and3A_798, %shift_right_arithmetic3A_783, %select_n3A_778 : vector<16xi1>, vector<16xi32>
      %gather3A_800 = tpu.vector_load_idx %arg14[%broadcast_in_dim3A, %select_n3A_795] : memref<8x112xi32, #tpu.memory_space<vmem>>[vector<16xi32>, vector<16xi32>], vector<16xi32>,
      %swap3A = arith.index_cast %while3A_651 : i32 to index
      %swap3A_801 = arith.constant 0 : index
      %swap3A_802 = tpu.vector_load %arg18[%swap3A, %swap3A_801] {strides = array<i32>} : memref<8x32xi32, #tpu.memory_space<vmem>>, vector<16xi32>,
      tpu.vector_store %arg18[%swap3A, %swap3A_801], %gather3A_800 {strides = array<i32>} : memref<8x32xi32, #tpu.memory_space<vmem>>, vector<16xi32>,
      %gather3A_803 = tpu.vector_load_idx %arg15[%broadcast_in_dim3A, %select_n3A_795] : memref<8x112xf32, #tpu.memory_space<vmem>>[vector<16xi32>, vector<16xi32>], vector<16xf32>,
      %swap3A_804 = arith.index_cast %while3A_651 : i32 to index
      %swap3A_805 = arith.constant 0 : index
      %swap3A_806 = tpu.vector_load %arg19[%swap3A_804, %swap3A_805] {strides = array<i32>} : memref<8x32xf32, #tpu.memory_space<vmem>>, vector<16xf32>,
      tpu.vector_store %arg19[%swap3A_804, %swap3A_805], %gather3A_803 {strides = array<i32>} : memref<8x32xf32, #tpu.memory_space<vmem>>, vector<16xf32>,
      %get3A_807 = arith.index_cast %while3A_651 : i32 to index
      %get3A_808 = arith.constant 16 : index
      %get3A_809 = tpu.vector_load %arg16[%get3A_807, %get3A_808] {strides = array<i32>} : memref<8x32xf32, #tpu.memory_space<vmem>>, vector<16xf32>,
      %get3A_810 = arith.index_cast %while3A_651 : i32 to index
      %get3A_811 = arith.constant 16 : index
      %get3A_812 = tpu.vector_load %arg17[%get3A_810, %get3A_811] {strides = array<i32>} : memref<8x32xf32, #tpu.memory_space<vmem>>, vector<16xf32>,
      %broadcast_in_dim3A_813 = arith.constant 0 : i32
      %broadcast_in_dim3A_814 = vector.broadcast %broadcast_in_dim3A_813 : i32 to vector<16xi32>
      %broadcast_in_dim3A_815 = arith.constant 99 : i32
      %broadcast_in_dim3A_816 = vector.broadcast %broadcast_in_dim3A_815 : i32 to vector<16xi32>
      %lt3A_817 = arith.cmpi slt, %broadcast_in_dim3A_814, %broadcast_in_dim3A_816 : vector<16xi32>
      %add3A_818 = arith.addi %broadcast_in_dim3A_814, %broadcast_in_dim3A_816 : vector<16xi32>
      %shift_right_arithmetic3A_819 = arith.constant 1 : i32
      %shift_right_arithmetic3A_820 = vector.broadcast %shift_right_arithmetic3A_819 : i32 to vector<16xi32>
      %shift_right_arithmetic3A_821 = arith.shrsi %add3A_818, %shift_right_arithmetic3A_820 : vector<16xi32>
      %gather3A_822 = tpu.vector_load_idx %arg12[%broadcast_in_dim3A, %shift_right_arithmetic3A_821] : memref<8x112xf32, #tpu.memory_space<vmem>>[vector<16xi32>, vector<16xi32>], vector<16xf32>,
      %gather3A_823 = tpu.vector_load_idx %arg13[%broadcast_in_dim3A, %shift_right_arithmetic3A_821] : memref<8x112xf32, #tpu.memory_space<vmem>>[vector<16xi32>, vector<16xi32>], vector<16xf32>,
      %lt3A_824 = arith.cmpf olt, %gather3A_822, %get3A_809 : vector<16xf32>
      %eq3A_825 = arith.cmpf oeq, %gather3A_822, %get3A_809 : vector<16xf32>
      %lt3A_826 = arith.cmpf olt, %gather3A_823, %get3A_812 : vector<16xf32>
      %and3A_827 = arith.andi %eq3A_825, %lt3A_826 : vector<16xi1>
      %or3A_828 = arith.ori %lt3A_824, %and3A_827 : vector<16xi1>
      %and3A_829 = arith.andi %lt3A_817, %or3A_828 : vector<16xi1>
      %add3A_830 = arith.constant 1 : i32
      %add3A_831 = vector.broadcast %add3A_830 : i32 to vector<16xi32>
      %add3A_832 = arith.addi %shift_right_arithmetic3A_821, %add3A_831 : vector<16xi32>
      %select_n3A_833 = arith.select %and3A_829, %add3A_832, %broadcast_in_dim3A_814 : vector<16xi1>, vector<16xi32>
      %not3A_834 = arith.constant dense<true> : vector<16xi1>
      %not3A_835 = arith.xori %or3A_828, %not3A_834 : vector<16xi1>
      %and3A_836 = arith.andi %lt3A_817, %not3A_835 : vector<16xi1>
      %select_n3A_837 = arith.select %and3A_836, %shift_right_arithmetic3A_821, %broadcast_in_dim3A_816 : vector<16xi1>, vector<16xi32>
      %lt3A_838 = arith.cmpi slt, %select_n3A_833, %select_n3A_837 : vector<16xi32>
      %add3A_839 = arith.addi %select_n3A_833, %select_n3A_837 : vector<16xi32>
      %shift_right_arithmetic3A_840 = arith.constant 1 : i32
      %shift_right_arithmetic3A_841 = vector.broadcast %shift_right_arithmetic3A_840 : i32 to vector<16xi32>
      %shift_right_arithmetic3A_842 = arith.shrsi %add3A_839, %shift_right_arithmetic3A_841 : vector<16xi32>
      %gather3A_843 = tpu.vector_load_idx %arg12[%broadcast_in_dim3A, %shift_right_arithmetic3A_842] : memref<8x112xf32, #tpu.memory_space<vmem>>[vector<16xi32>, vector<16xi32>], vector<16xf32>,
      %gather3A_844 = tpu.vector_load_idx %arg13[%broadcast_in_dim3A, %shift_right_arithmetic3A_842] : memref<8x112xf32, #tpu.memory_space<vmem>>[vector<16xi32>, vector<16xi32>], vector<16xf32>,
      %lt3A_845 = arith.cmpf olt, %gather3A_843, %get3A_809 : vector<16xf32>
      %eq3A_846 = arith.cmpf oeq, %gather3A_843, %get3A_809 : vector<16xf32>
      %lt3A_847 = arith.cmpf olt, %gather3A_844, %get3A_812 : vector<16xf32>
      %and3A_848 = arith.andi %eq3A_846, %lt3A_847 : vector<16xi1>
      %or3A_849 = arith.ori %lt3A_845, %and3A_848 : vector<16xi1>
      %and3A_850 = arith.andi %lt3A_838, %or3A_849 : vector<16xi1>
      %add3A_851 = arith.constant 1 : i32
      %add3A_852 = vector.broadcast %add3A_851 : i32 to vector<16xi32>
      %add3A_853 = arith.addi %shift_right_arithmetic3A_842, %add3A_852 : vector<16xi32>
      %select_n3A_854 = arith.select %and3A_850, %add3A_853, %select_n3A_833 : vector<16xi1>, vector<16xi32>
      %not3A_855 = arith.constant dense<true> : vector<16xi1>
      %not3A_856 = arith.xori %or3A_849, %not3A_855 : vector<16xi1>
      %and3A_857 = arith.andi %lt3A_838, %not3A_856 : vector<16xi1>
      %select_n3A_858 = arith.select %and3A_857, %shift_right_arithmetic3A_842, %select_n3A_837 : vector<16xi1>, vector<16xi32>
      %lt3A_859 = arith.cmpi slt, %select_n3A_854, %select_n3A_858 : vector<16xi32>
      %add3A_860 = arith.addi %select_n3A_854, %select_n3A_858 : vector<16xi32>
      %shift_right_arithmetic3A_861 = arith.constant 1 : i32
      %shift_right_arithmetic3A_862 = vector.broadcast %shift_right_arithmetic3A_861 : i32 to vector<16xi32>
      %shift_right_arithmetic3A_863 = arith.shrsi %add3A_860, %shift_right_arithmetic3A_862 : vector<16xi32>
      %gather3A_864 = tpu.vector_load_idx %arg12[%broadcast_in_dim3A, %shift_right_arithmetic3A_863] : memref<8x112xf32, #tpu.memory_space<vmem>>[vector<16xi32>, vector<16xi32>], vector<16xf32>,
      %gather3A_865 = tpu.vector_load_idx %arg13[%broadcast_in_dim3A, %shift_right_arithmetic3A_863] : memref<8x112xf32, #tpu.memory_space<vmem>>[vector<16xi32>, vector<16xi32>], vector<16xf32>,
      %lt3A_866 = arith.cmpf olt, %gather3A_864, %get3A_809 : vector<16xf32>
      %eq3A_867 = arith.cmpf oeq, %gather3A_864, %get3A_809 : vector<16xf32>
      %lt3A_868 = arith.cmpf olt, %gather3A_865, %get3A_812 : vector<16xf32>
      %and3A_869 = arith.andi %eq3A_867, %lt3A_868 : vector<16xi1>
      %or3A_870 = arith.ori %lt3A_866, %and3A_869 : vector<16xi1>
      %and3A_871 = arith.andi %lt3A_859, %or3A_870 : vector<16xi1>
      %add3A_872 = arith.constant 1 : i32
      %add3A_873 = vector.broadcast %add3A_872 : i32 to vector<16xi32>
      %add3A_874 = arith.addi %shift_right_arithmetic3A_863, %add3A_873 : vector<16xi32>
      %select_n3A_875 = arith.select %and3A_871, %add3A_874, %select_n3A_854 : vector<16xi1>, vector<16xi32>
      %not3A_876 = arith.constant dense<true> : vector<16xi1>
      %not3A_877 = arith.xori %or3A_870, %not3A_876 : vector<16xi1>
      %and3A_878 = arith.andi %lt3A_859, %not3A_877 : vector<16xi1>
      %select_n3A_879 = arith.select %and3A_878, %shift_right_arithmetic3A_863, %select_n3A_858 : vector<16xi1>, vector<16xi32>
      %lt3A_880 = arith.cmpi slt, %select_n3A_875, %select_n3A_879 : vector<16xi32>
      %add3A_881 = arith.addi %select_n3A_875, %select_n3A_879 : vector<16xi32>
      %shift_right_arithmetic3A_882 = arith.constant 1 : i32
      %shift_right_arithmetic3A_883 = vector.broadcast %shift_right_arithmetic3A_882 : i32 to vector<16xi32>
      %shift_right_arithmetic3A_884 = arith.shrsi %add3A_881, %shift_right_arithmetic3A_883 : vector<16xi32>
      %gather3A_885 = tpu.vector_load_idx %arg12[%broadcast_in_dim3A, %shift_right_arithmetic3A_884] : memref<8x112xf32, #tpu.memory_space<vmem>>[vector<16xi32>, vector<16xi32>], vector<16xf32>,
      %gather3A_886 = tpu.vector_load_idx %arg13[%broadcast_in_dim3A, %shift_right_arithmetic3A_884] : memref<8x112xf32, #tpu.memory_space<vmem>>[vector<16xi32>, vector<16xi32>], vector<16xf32>,
      %lt3A_887 = arith.cmpf olt, %gather3A_885, %get3A_809 : vector<16xf32>
      %eq3A_888 = arith.cmpf oeq, %gather3A_885, %get3A_809 : vector<16xf32>
      %lt3A_889 = arith.cmpf olt, %gather3A_886, %get3A_812 : vector<16xf32>
      %and3A_890 = arith.andi %eq3A_888, %lt3A_889 : vector<16xi1>
      %or3A_891 = arith.ori %lt3A_887, %and3A_890 : vector<16xi1>
      %and3A_892 = arith.andi %lt3A_880, %or3A_891 : vector<16xi1>
      %add3A_893 = arith.constant 1 : i32
      %add3A_894 = vector.broadcast %add3A_893 : i32 to vector<16xi32>
      %add3A_895 = arith.addi %shift_right_arithmetic3A_884, %add3A_894 : vector<16xi32>
      %select_n3A_896 = arith.select %and3A_892, %add3A_895, %select_n3A_875 : vector<16xi1>, vector<16xi32>
      %not3A_897 = arith.constant dense<true> : vector<16xi1>
      %not3A_898 = arith.xori %or3A_891, %not3A_897 : vector<16xi1>
      %and3A_899 = arith.andi %lt3A_880, %not3A_898 : vector<16xi1>
      %select_n3A_900 = arith.select %and3A_899, %shift_right_arithmetic3A_884, %select_n3A_879 : vector<16xi1>, vector<16xi32>
      %lt3A_901 = arith.cmpi slt, %select_n3A_896, %select_n3A_900 : vector<16xi32>
      %add3A_902 = arith.addi %select_n3A_896, %select_n3A_900 : vector<16xi32>
      %shift_right_arithmetic3A_903 = arith.constant 1 : i32
      %shift_right_arithmetic3A_904 = vector.broadcast %shift_right_arithmetic3A_903 : i32 to vector<16xi32>
      %shift_right_arithmetic3A_905 = arith.shrsi %add3A_902, %shift_right_arithmetic3A_904 : vector<16xi32>
      %gather3A_906 = tpu.vector_load_idx %arg12[%broadcast_in_dim3A, %shift_right_arithmetic3A_905] : memref<8x112xf32, #tpu.memory_space<vmem>>[vector<16xi32>, vector<16xi32>], vector<16xf32>,
      %gather3A_907 = tpu.vector_load_idx %arg13[%broadcast_in_dim3A, %shift_right_arithmetic3A_905] : memref<8x112xf32, #tpu.memory_space<vmem>>[vector<16xi32>, vector<16xi32>], vector<16xf32>,
      %lt3A_908 = arith.cmpf olt, %gather3A_906, %get3A_809 : vector<16xf32>
      %eq3A_909 = arith.cmpf oeq, %gather3A_906, %get3A_809 : vector<16xf32>
      %lt3A_910 = arith.cmpf olt, %gather3A_907, %get3A_812 : vector<16xf32>
      %and3A_911 = arith.andi %eq3A_909, %lt3A_910 : vector<16xi1>
      %or3A_912 = arith.ori %lt3A_908, %and3A_911 : vector<16xi1>
      %and3A_913 = arith.andi %lt3A_901, %or3A_912 : vector<16xi1>
      %add3A_914 = arith.constant 1 : i32
      %add3A_915 = vector.broadcast %add3A_914 : i32 to vector<16xi32>
      %add3A_916 = arith.addi %shift_right_arithmetic3A_905, %add3A_915 : vector<16xi32>
      %select_n3A_917 = arith.select %and3A_913, %add3A_916, %select_n3A_896 : vector<16xi1>, vector<16xi32>
      %not3A_918 = arith.constant dense<true> : vector<16xi1>
      %not3A_919 = arith.xori %or3A_912, %not3A_918 : vector<16xi1>
      %and3A_920 = arith.andi %lt3A_901, %not3A_919 : vector<16xi1>
      %select_n3A_921 = arith.select %and3A_920, %shift_right_arithmetic3A_905, %select_n3A_900 : vector<16xi1>, vector<16xi32>
      %lt3A_922 = arith.cmpi slt, %select_n3A_917, %select_n3A_921 : vector<16xi32>
      %add3A_923 = arith.addi %select_n3A_917, %select_n3A_921 : vector<16xi32>
      %shift_right_arithmetic3A_924 = arith.constant 1 : i32
      %shift_right_arithmetic3A_925 = vector.broadcast %shift_right_arithmetic3A_924 : i32 to vector<16xi32>
      %shift_right_arithmetic3A_926 = arith.shrsi %add3A_923, %shift_right_arithmetic3A_925 : vector<16xi32>
      %gather3A_927 = tpu.vector_load_idx %arg12[%broadcast_in_dim3A, %shift_right_arithmetic3A_926] : memref<8x112xf32, #tpu.memory_space<vmem>>[vector<16xi32>, vector<16xi32>], vector<16xf32>,
      %gather3A_928 = tpu.vector_load_idx %arg13[%broadcast_in_dim3A, %shift_right_arithmetic3A_926] : memref<8x112xf32, #tpu.memory_space<vmem>>[vector<16xi32>, vector<16xi32>], vector<16xf32>,
      %lt3A_929 = arith.cmpf olt, %gather3A_927, %get3A_809 : vector<16xf32>
      %eq3A_930 = arith.cmpf oeq, %gather3A_927, %get3A_809 : vector<16xf32>
      %lt3A_931 = arith.cmpf olt, %gather3A_928, %get3A_812 : vector<16xf32>
      %and3A_932 = arith.andi %eq3A_930, %lt3A_931 : vector<16xi1>
      %or3A_933 = arith.ori %lt3A_929, %and3A_932 : vector<16xi1>
      %and3A_934 = arith.andi %lt3A_922, %or3A_933 : vector<16xi1>
      %add3A_935 = arith.constant 1 : i32
      %add3A_936 = vector.broadcast %add3A_935 : i32 to vector<16xi32>
      %add3A_937 = arith.addi %shift_right_arithmetic3A_926, %add3A_936 : vector<16xi32>
      %select_n3A_938 = arith.select %and3A_934, %add3A_937, %select_n3A_917 : vector<16xi1>, vector<16xi32>
      %not3A_939 = arith.constant dense<true> : vector<16xi1>
      %not3A_940 = arith.xori %or3A_933, %not3A_939 : vector<16xi1>
      %and3A_941 = arith.andi %lt3A_922, %not3A_940 : vector<16xi1>
      %select_n3A_942 = arith.select %and3A_941, %shift_right_arithmetic3A_926, %select_n3A_921 : vector<16xi1>, vector<16xi32>
      %lt3A_943 = arith.cmpi slt, %select_n3A_938, %select_n3A_942 : vector<16xi32>
      %add3A_944 = arith.addi %select_n3A_938, %select_n3A_942 : vector<16xi32>
      %shift_right_arithmetic3A_945 = arith.constant 1 : i32
      %shift_right_arithmetic3A_946 = vector.broadcast %shift_right_arithmetic3A_945 : i32 to vector<16xi32>
      %shift_right_arithmetic3A_947 = arith.shrsi %add3A_944, %shift_right_arithmetic3A_946 : vector<16xi32>
      %gather3A_948 = tpu.vector_load_idx %arg12[%broadcast_in_dim3A, %shift_right_arithmetic3A_947] : memref<8x112xf32, #tpu.memory_space<vmem>>[vector<16xi32>, vector<16xi32>], vector<16xf32>,
      %gather3A_949 = tpu.vector_load_idx %arg13[%broadcast_in_dim3A, %shift_right_arithmetic3A_947] : memref<8x112xf32, #tpu.memory_space<vmem>>[vector<16xi32>, vector<16xi32>], vector<16xf32>,
      %lt3A_950 = arith.cmpf olt, %gather3A_948, %get3A_809 : vector<16xf32>
      %eq3A_951 = arith.cmpf oeq, %gather3A_948, %get3A_809 : vector<16xf32>
      %lt3A_952 = arith.cmpf olt, %gather3A_949, %get3A_812 : vector<16xf32>
      %and3A_953 = arith.andi %eq3A_951, %lt3A_952 : vector<16xi1>
      %or3A_954 = arith.ori %lt3A_950, %and3A_953 : vector<16xi1>
      %and3A_955 = arith.andi %lt3A_943, %or3A_954 : vector<16xi1>
      %add3A_956 = arith.constant 1 : i32
      %add3A_957 = vector.broadcast %add3A_956 : i32 to vector<16xi32>
      %add3A_958 = arith.addi %shift_right_arithmetic3A_947, %add3A_957 : vector<16xi32>
      %select_n3A_959 = arith.select %and3A_955, %add3A_958, %select_n3A_938 : vector<16xi1>, vector<16xi32>
      %not3A_960 = arith.constant dense<true> : vector<16xi1>
      %not3A_961 = arith.xori %or3A_954, %not3A_960 : vector<16xi1>
      %and3A_962 = arith.andi %lt3A_943, %not3A_961 : vector<16xi1>
      %select_n3A_963 = arith.select %and3A_962, %shift_right_arithmetic3A_947, %select_n3A_942 : vector<16xi1>, vector<16xi32>
      %gather3A_964 = tpu.vector_load_idx %arg14[%broadcast_in_dim3A, %select_n3A_959] : memref<8x112xi32, #tpu.memory_space<vmem>>[vector<16xi32>, vector<16xi32>], vector<16xi32>,
      %swap3A_965 = arith.index_cast %while3A_651 : i32 to index
      %swap3A_966 = arith.constant 16 : index
      %swap3A_967 = tpu.vector_load %arg18[%swap3A_965, %swap3A_966] {strides = array<i32>} : memref<8x32xi32, #tpu.memory_space<vmem>>, vector<16xi32>,
      tpu.vector_store %arg18[%swap3A_965, %swap3A_966], %gather3A_964 {strides = array<i32>} : memref<8x32xi32, #tpu.memory_space<vmem>>, vector<16xi32>,
      %gather3A_968 = tpu.vector_load_idx %arg15[%broadcast_in_dim3A, %select_n3A_959] : memref<8x112xf32, #tpu.memory_space<vmem>>[vector<16xi32>, vector<16xi32>], vector<16xf32>,
      %swap3A_969 = arith.index_cast %while3A_651 : i32 to index
      %swap3A_970 = arith.constant 16 : index
      %swap3A_971 = tpu.vector_load %arg19[%swap3A_969, %swap3A_970] {strides = array<i32>} : memref<8x32xf32, #tpu.memory_space<vmem>>, vector<16xf32>,
      tpu.vector_store %arg19[%swap3A_969, %swap3A_970], %gather3A_968 {strides = array<i32>} : memref<8x32xf32, #tpu.memory_space<vmem>>, vector<16xf32>,
    }
    "tpu.region"() ({
      %run_scoped3A = tpu.sem_alloc : memref<!tpu.dma_semaphore, #tpu.memory_space<semaphore_mem>>
      %dma_start3A_651 = arith.constant 0 : i32
      %dma_start3A_652 = tpu.memref_slice %arg9[%mul3A_2, %dma_start3A_651] : memref<256x32xi32, #tpu.memory_space<hbm>> -> memref<8x32xi32, #tpu.memory_space<hbm>>
      %dma_start3A_653 = arith.constant 0 : i32
      %dma_start3A_654 = tpu.memref_slice %arg9[%mul3A_2, %dma_start3A_653] : memref<256x32xi32, #tpu.memory_space<hbm>> -> memref<8x32xi32, #tpu.memory_space<hbm>>
      tpu.enqueue_dma source(%arg18 : memref<8x32xi32, #tpu.memory_space<vmem>>) target(%dma_start3A_654 : memref<8x32xi32, #tpu.memory_space<hbm>>) target_semaphore(%run_scoped3A : memref<!tpu.dma_semaphore, #tpu.memory_space<semaphore_mem>>)
      %dma_wait3A_655 = arith.constant 0 : i32
      %dma_wait3A_656 = tpu.memref_slice %arg9[%mul3A_2, %dma_wait3A_655] : memref<256x32xi32, #tpu.memory_space<hbm>> -> memref<8x32xi32, #tpu.memory_space<hbm>>
      %dma_wait3A_657 = arith.constant 0 : i32
      %dma_wait3A_658 = tpu.memref_slice %arg9[%mul3A_2, %dma_wait3A_657] : memref<256x32xi32, #tpu.memory_space<hbm>> -> memref<8x32xi32, #tpu.memory_space<hbm>>
      tpu.wait_dma2 semaphore(%run_scoped3A : memref<!tpu.dma_semaphore, #tpu.memory_space<semaphore_mem>>) src(%arg18 : memref<8x32xi32, #tpu.memory_space<vmem>>) dst(%dma_wait3A_658 : memref<8x32xi32, #tpu.memory_space<hbm>>)
      tpu.yield
    }) : () -> ()
    "tpu.region"() ({
      %run_scoped3A = tpu.sem_alloc : memref<!tpu.dma_semaphore, #tpu.memory_space<semaphore_mem>>
      %dma_start3A_651 = arith.constant 0 : i32
      %dma_start3A_652 = tpu.memref_slice %arg10[%mul3A_2, %dma_start3A_651] : memref<256x32xf32, #tpu.memory_space<hbm>> -> memref<8x32xf32, #tpu.memory_space<hbm>>
      %dma_start3A_653 = arith.constant 0 : i32
      %dma_start3A_654 = tpu.memref_slice %arg10[%mul3A_2, %dma_start3A_653] : memref<256x32xf32, #tpu.memory_space<hbm>> -> memref<8x32xf32, #tpu.memory_space<hbm>>
      tpu.enqueue_dma source(%arg19 : memref<8x32xf32, #tpu.memory_space<vmem>>) target(%dma_start3A_654 : memref<8x32xf32, #tpu.memory_space<hbm>>) target_semaphore(%run_scoped3A : memref<!tpu.dma_semaphore, #tpu.memory_space<semaphore_mem>>)
      %dma_wait3A_655 = arith.constant 0 : i32
      %dma_wait3A_656 = tpu.memref_slice %arg10[%mul3A_2, %dma_wait3A_655] : memref<256x32xf32, #tpu.memory_space<hbm>> -> memref<8x32xf32, #tpu.memory_space<hbm>>
      %dma_wait3A_657 = arith.constant 0 : i32
      %dma_wait3A_658 = tpu.memref_slice %arg10[%mul3A_2, %dma_wait3A_657] : memref<256x32xf32, #tpu.memory_space<hbm>> -> memref<8x32xf32, #tpu.memory_space<hbm>>
      tpu.wait_dma2 semaphore(%run_scoped3A : memref<!tpu.dma_semaphore, #tpu.memory_space<semaphore_mem>>) src(%arg19 : memref<8x32xf32, #tpu.memory_space<vmem>>) dst(%dma_wait3A_658 : memref<8x32xf32, #tpu.memory_space<hbm>>)
      tpu.yield
    }) : () -> ()
    return
  }
}

</mosaic_0001>

<sc_bundles>
// kernel: _run.3.cloned.1.call-start
scs
__scs_entry_jumppad:
0x0: {  	(pc) =	sbr.rel $0x88, $3  }
0x1: {  	(tag) =	ssettag $0x0;
	lr =	simm.s32 $0x1  }
0x2: {  	[smem:$0x3F9A] =	sst lr;
	_ =	strace $0xD0000000  }
0x3: {  	_ = 	snop  }
0x4: {  	_ = 	snop  }
0x5: {  	_ = 	snop  }
0x6: {  	_ = 	snop  }
0x7: {  	_ = 	snop  }
__scs_overlays_trampoline_lowered:
0x8: {  	[smem:$0x3FA9] =	sst s0  }
0x9: {  	[smem:$0x3FAA] =	sst s1  }
0xa: {  	[smem:$0x3FAB] =	sst s2  }
0xb: {  	[smem:$0x3FAC] =	sst s3  }
0xc: {  	[smem:$0x3FAD] =	sst s4  }
0xd: {  	[smem:$0x3FAE] =	sst s5  }
0xe: {  	[smem:$0x3FAF] =	sst s6  }
0xf: {  	[smem:$0x3FB0] =	sst s7  }
0x10: {  	[smem:$0x3FB1] =	sst s8  }
0x11: {  	[smem:$0x3FB2] =	sst s9;
	s0 =	simm.s32 @!p0 $0x0  }
0x12: {  	s1 =	sld [smem:$0x3F98];
	s0 =	simm.s32 @p0 $0x1  }
0x13: {  	[smem:$0x3FB3] =	sst s0;
	s0 =	simm.s32 @!p1 $0x0  }
0x14: {  	s2 =	sld [smem:$0x3F97];
	s0 =	simm.s32 @p1 $0x1  }
0x15: {  	[smem:$0x3FB4] =	sst s0;
	s0 =	simm.s32 @!p2 $0x0  }
0x16: {  	s3 =	sld [smem:$0x3FDB];
	s0 =	simm.s32 @p2 $0x1  }
0x17: {  	s4 =	simm.s32 $0x1BF5;
	[smem:$0x3FB6] =	sst s0  }
0x18: {  	s0 =	sld [smem:$0x3F99];
	_ =	swait.ge [sflag:s4], $0x0  }
0x19: {  	s7 =	sld [smem:$0x3F9A]  }
0x1a: {  	s8 =	sadd.s32 $0xFFFFE003, lr  }
0x1b: {  	s9 =	sadd.s32 $0xFFFFFEF7, lr;
	s5 =	simm.s32 $0xFFFFFFFF;
	p2 =	slt.u32 s8, $0xFFFFF086  }
0x1c: {  	p1 =	slt.u32 s9, $0xF7A;
	s5 =	simm.s32 @!p2 $0x0  }
0x1d: {  	s5 =	simm.s32 @p1 $0x1;
	p0 =	seq.s32 s7, s2  }
0x1e: {  	s7 =	smul.u32 @!p0 $0xF7A, s2;
	p2 =	seq.s32 @!p0 s5, $0x0  }
0x1f: {  	s9 =	smul.u32 $0xF7A, s1;
	s8 =	simm.s32 @!p0 $0x1BF5;
	p2 =	por !p2, p0  }
0x20: {  	[sflag:s8] =	ssyncset.s32 @!p0 $0xFFFFF086;
	s6 =	sadd.s32 @!p0 s3, s7;
	s7 =	simm.s32 @!p0 $0x108  }
0x21: {  	s3 =	sadd.s32 s3, s9;
	s6 =	sadd.s32 @!p0 $0x88, s6;
	s7 =	simm.s32 @p2 $0x1082  }
0x22: {  	[simem:s7], [sflag:s8] =	dma.local @!p0 [hbm:s6], $0xF7A  }
0x23: {  	s9 =	sor.u32 $0xD0000000, s2;
	s6 =	simm.s32 $0x108;
	_ =	swait.ge @!p0 [sflag:s8], $0x0  }
0x24: {  	s3 =	sadd.s32 $0x88, s3;
	s6 =	simm.s32 @!p1 $0x1082;
	[sflag:s4] =	ssyncset.s32 $0xFFFFF086  }
0x25: {  	[simem:s6], [sflag:s4] =	dma.local [hbm:s3], $0xF7A  }
0x26: {  	[smem:$0x3F9A] =	sst s1;
	(tag) =	ssettag s2;
	_ =	strace s9  }
0x27: {  	s1 =	sld [smem:$0x3FAA]  }
0x28: {  	s2 =	sld [smem:$0x3FAB]  }
0x29: {  	s4 =	sld [smem:$0x3FAD]  }
0x2a: {  	p0 =	seq.s32 s5, $0x0;
	s5 =	sld [smem:$0x3FAE]  }
0x2b: {  	s6 =	sld [smem:$0x3FAF]  }
0x2c: {  	s7 =	sld [smem:$0x3FB0]  }
0x2d: {  	s3 =	simm.s32 $0x108;
	s8 =	sld [smem:$0x3FB1]  }
0x2e: {  	s3 =	simm.s32 @!p0 $0x1082;
	s9 =	sld [smem:$0x3FB2]  }
0x2f: {  	lr =	sadd.s32 s0, s3;
	s0 =	sld [smem:$0x3FA9]  }
0x30: {  	s3 =	sld [smem:$0x3FAC]  }
0x31: {  	[smem:$0x3FB5] =	sst s10  }
0x32: {  	s10 =	sld [smem:$0x3FB3];
	_ =	sdelay $0x3  }
0x33: {  	p0 =	seq.s32 s10, $0x1;
	s10 =	sld [smem:$0x3FB5];
	_ =	sdelay $0x3  }
0x34: {  	[smem:$0x3FB5] =	sst s10  }
0x35: {  	s10 =	sld [smem:$0x3FB4];
	_ =	sdelay $0x3  }
0x36: {  	p1 =	seq.s32 s10, $0x1;
	s10 =	sld [smem:$0x3FB5];
	_ =	sdelay $0x3  }
0x37: {  	[smem:$0x3FB5] =	sst s10  }
0x38: {  	s10 =	sld [smem:$0x3FB6]  }
0x39: {  	_ = 	snop;
	(pc) =	sbr.ind lr, $3  }
0x3a: {  	_ = 	snop  }
0x3b: {  	_ = 	snop  }
0x3c: {  	p2 =	seq.s32 s10, $0x1;
	s10 =	sld [smem:$0x3FB5]  }
0x3d: {  	_ =	shalt  }
0x3e: {  	_ =	shalt  }
0x3f: {  	_ =	shalt  }
0x40: {  	_ =	shalt  }
0x41: {  	_ =	shalt  }
0x42: {  	_ =	shalt  }
0x43: {  	_ =	shalt  }
0x44: {  	_ =	shalt  }
0x45: {  	_ =	shalt  }
0x46: {  	_ =	shalt  }
0x47: {  	_ =	shalt  }
0x48: {  	_ =	shalt  }
0x49: {  	_ =	shalt  }
0x4a: {  	_ =	shalt  }
0x4b: {  	_ =	shalt  }
0x4c: {  	_ =	shalt  }
0x4d: {  	_ =	shalt  }
0x4e: {  	_ =	shalt  }
0x4f: {  	_ =	shalt  }
0x50: {  	_ =	shalt  }
0x51: {  	_ =	shalt  }
0x52: {  	_ =	shalt  }
0x53: {  	_ =	shalt  }
0x54: {  	_ =	shalt  }
0x55: {  	_ =	shalt  }
0x56: {  	_ =	shalt  }
0x57: {  	_ =	shalt  }
0x58: {  	_ =	shalt  }
0x59: {  	_ =	shalt  }
0x5a: {  	_ =	shalt  }
0x5b: {  	_ =	shalt  }
0x5c: {  	_ =	shalt  }
0x5d: {  	_ =	shalt  }
0x5e: {  	_ =	shalt  }
0x5f: {  	_ =	shalt  }
0x60: {  	_ =	shalt  }
0x61: {  	_ =	shalt  }
0x62: {  	_ =	shalt  }
0x63: {  	_ =	shalt  }
0x64: {  	_ =	shalt  }
0x65: {  	_ =	shalt  }
0x66: {  	_ =	shalt  }
0x67: {  	_ =	shalt  }
0x68: {  	_ =	shalt  }
0x69: {  	_ =	shalt  }
0x6a: {  	_ =	shalt  }
0x6b: {  	_ =	shalt  }
0x6c: {  	_ =	shalt  }
0x6d: {  	_ =	shalt  }
0x6e: {  	_ =	shalt  }
0x6f: {  	_ =	shalt  }
0x70: {  	_ =	shalt  }
0x71: {  	_ =	shalt  }
0x72: {  	_ =	shalt  }
0x73: {  	_ =	shalt  }
0x74: {  	_ =	shalt  }
0x75: {  	_ =	shalt  }
0x76: {  	_ =	shalt  }
0x77: {  	_ =	shalt  }
0x78: {  	_ =	shalt  }
0x79: {  	_ =	shalt  }
0x7a: {  	_ =	shalt  }
0x7b: {  	_ =	shalt  }
0x7c: {  	_ =	shalt  }
0x7d: {  	_ =	shalt  }
0x7e: {  	_ =	shalt  }
0x7f: {  	_ =	shalt  }
0x80: {  	_ =	shalt  }
0x81: {  	_ =	shalt  }
0x82: {  	_ =	shalt  }
0x83: {  	_ =	shalt  }
0x84: {  	_ =	shalt  }
0x85: {  	_ =	shalt  }
0x86: {  	_ =	shalt  }
0x87: {  	_ =	shalt  }
.Lfunc_end0:
.L_simem_size_0:
called_computation_lowered:
.L_overlay_start_0:
0x88: {  	s2 =	sld [smem:$0x3FD9]  }
0x89: {  	s3 =	sld [smem:$0x3FFE];
	_ =	sdelay $0x1  }
0x8a: {  	s1 =	srdreg.scid  }
0x8b: {  	s0 =	sand.u32 $0x1, s1  }
0x8c: {  	s14 =	sshll.u32 s0, $0xA;
	s2 =	sadd.s32 s3, s2  }
0x8d: {  	s2 =	sadd.s32 s2, s14  }
0x8e: {  	[smem:$0x3FC1] =	sst s2  }
0x8f: {  	_ = 	snop  }
0x90: {  	s2 =	sld [smem:$0x3FC8]  }
0x91: {  	s15 =	sld [smem:$0x3FD0]  }
0x92: {  	s4 =	sld [smem:$0x3FC7]  }
0x93: {  	s5 =	sld [smem:$0x3FC6]  }
0x94: {  	s7 =	simm.s32 $0xA;
	s8 =	simm.s32 $0x10;
	s6 =	sld [smem:$0x3FC5]  }
0x95: {  	[smem:s8], [sflag:s7] =	dma.local [hbm:s15], $0x1  }
0x96: {  	_ =	swait.eq [sflag:s7], $0x1  }
0x97: {  	[sflag:s7] =	ssyncset.done $0x0  }
0x98: {  	s16 =	sld [smem:$0x10];
	[sflag:s7] =	ssyncadd.s32 $0xFFFFFFFF  }
0x99: {  	s17 =	sld [smem:$0x11];
	(tm) =	ssettm $0x1  }
0x9a: {  	s18 =	sld [smem:$0x3FFB];
	_ =	sdelay $0x3  }
0x9b: {  	_ =	strace s18  }
0x9c: {  	s8 =	sld [smem:$0x3FFC];
	_ =	sdelay $0x3  }
0x9d: {  	_ =	strace s8  }
0x9e: {  	s8 =	sld [smem:$0x3FFD];
	_ =	sdelay $0x3  }
0x9f: {  	_ =	strace s8  }
0xa0: {  	_ =	strace $0x8FFFFFFF  }
0xa1: {  	s19 =	sld [smem:$0x3FDB];
	_ =	sdelay $0x1  }
0xa2: {  	s9 =	simm.s32 $_scs_section_size  }
0xa3: {  	s10 =	simm.s32 $_size__tile_overlayer_lowered;
	s11 =	simm.s32 $_tile_overlayer_lowered  }
0xa4: {  	s22 =	simm.s32 $0x1BFF;
	s21 =	sshll.u32 s11, $0x1;
	s8 =	sadd.s32 s9, s19  }
0xa5: {  	s12 =	simm.s32 $0x0;
	s20 =	sshll.u32 s10, $0x1;
	s10 =	sadd.s32 s21, s8  }
0xa6: {  	[timem:s12], [sflag:s22] =	dma.local [hbm:s10], s20  }
0xa7: {  	_ =	swait.ge [sflag:s22], s20  }
0xa8: {  	s9 =	ssub.s32 $0x0, s20;
	[sflag:s22] =	ssyncset.done $0x0  }
0xa9: {  	[sflag:s22] =	ssyncadd.s32 s9;
	_ =	sdelay $0x1  }
0xaa: {  	s23 =	simm.s32 $0x1B8B  }
0xab: {  	_ =	swait.ge [sflag:s23], $0x1  }
0xac: {  	[sflag:s23] =	ssyncset.done $0x0  }
0xad: {  	s25 =	simm.s32 $0x1B8E;
	s24 =	sld [smem:$0x3FFE];
	[sflag:s23] =	ssyncadd.s32 $0xFFFFFFFF  }
0xae: {  	s26 =	simm.s32 $execute0_lowered;
	[smem:$0x3FD2] =	sst s25  }
0xaf: {  	s10 =	sshll.u32 s26, $0x1;
	_ =	strace $0x80000046;
	[dreg:$0x1] =	wrdreg $0xFFFFFFFF  }
0xb0: {  	s28 =	simm.s32 $_size_execute0_lowered;
	s8 =	sadd.s32 s8, s10;
	[dreg:$0x0] =	wrdreg $0x0  }
0xb1: {  	s10 =	sshll.u32 s28, $0x1;
	[dreg:$0x2] =	wrdreg s8  }
0xb2: {  	[dreg:$0x3] =	wrdreg s10  }
0xb3: {  	[dreg:$0x4] =	wrdreg $0xC0  }
0xb4: {  	_ =	task [dreg:s12], $0x5FFFF  }
0xb5: {  	[dreg:$0x1] =	wrdreg $0xFFFFFFFF  }
0xb6: {  	[dreg:$0x0] =	wrdreg $0x60  }
0xb7: {  	[dreg:$0x2] =	wrdreg s24  }
0xb8: {  	[dreg:$0x3] =	wrdreg s2  }
0xb9: {  	[dreg:$0x4] =	wrdreg s4  }
0xba: {  	[dreg:$0x5] =	wrdreg s5  }
0xbb: {  	[dreg:$0x6] =	wrdreg s6  }
0xbc: {  	[dreg:$0x7] =	wrdreg s17  }
0xbd: {  	[dreg:$0x8] =	wrdreg s16  }
0xbe: {  	[dreg:$0x9] =	wrdreg $0x9  }
0xbf: {  	_ =	task.clear_ibuf [dreg:s12], $0xAFFFF;
	_ =	strace $0x90000046  }
0xc0: {  	s29 =	simm.s32 $0x9;
	_ =	strace $0x80000048  }
0xc1: {  	_ =	swait.ge [sflag:s29], $0x1  }
0xc2: {  	[sflag:s29] =	ssyncadd.s32 $0xFFFFFFFF  }
0xc3: {  	_ =	strace $0x90000048  }
0xc4: {  	_ =	sfence  }
0xc5: {  	s30 =	sld [smem:$0x0];
	_ =	sdelay $0x2  }
0xc6: {  	s31 =	sshll.u32 s1, $0xD;
	s1 =	sshrl.u32 s1, $0x2  }
0xc7: {  	s3 =	sand.u32 $0x4000, s31;
	s1 =	sadd.s32 s1, s30  }
0xc8: {  	s0 =	sor.u32 s3, s0;
	s1 =	sshll.u32 s1, $0x11  }
0xc9: {  	s0 =	sor.u32 s1, s0  }
0xca: {  	s0 =	sadd.s32 $0x8F2B, s0  }
0xcb: {  	[sflag:s0] =	ssyncadd.remote.s32 $0x1  }
0xcc: {  	_ =	sfence.sel $0xFFFF  }
0xcd: {  	[dreg:$0x0] =	wrdreg $0xFFFFFFFF;
	(pc) =	sbr.abs _section_cstart, $3  }
0xce: {  	[dreg:$0x1] =	wrdreg $0xFFFFFFFF  }
0xcf: {  	_ =	task.clear_ibuf [dreg:s12], $0x2FFFF;
	_ =	strace $0x9FFFFFFF  }
0xd0: {  	(tm) =	ssettm $0x7FFFFFFF  }
0xd1: {  	_ =	shalt  }
tec
execute0_lowered:
.L_overlay_start_1:
0x0: {  	(tag) =	ssettag $0x1  }
0x1: {  	s2 =	rddreg [dreg:$0x0]  }
0x2: {  	s0 =	rddreg [dreg:$0x1]  }
0x3: {  	s1 =	rddreg [dreg:$0x2]  }
0x4: {  	s3 =	rddreg [dreg:$0x3]  }
0x5: {  	s4 =	rddreg [dreg:$0x4]  }
0x6: {  	s5 =	srdreg.scid;
	s7 =	rddreg [dreg:$0x5]  }
0x7: {  	s6 =	stileid.u32;
	s8 =	rddreg [dreg:$0x6]  }
0x8: {  	s13 =	simm.s32 $0x5;
	s16 =	simm.s32 $0x70;
	s17 =	simm.s32 $0x380  }
0x9: {  	s18 =	simm.s32 $0x700;
	s19 =	simm.s32 $0xA80;
	s20 =	simm.s32 $0xE00  }
0xa: {  	s25 =	simm.s32 $0xE0;
	s31 =	simm.s32 $0x150;
	s21 =	simm.s32 $0x1C0  }
0xb: {  	s28 =	simm.s32 $0x230;
	s14 =	simm.s32 $0x2A0;
	s26 =	simm.s32 $0x310  }
0xc: {  	s15 =	simm.s32 $0x1;
	s22 =	simm.s32 $0x2;
	s23 =	simm.s32 $0x3  }
0xd: {  	s24 =	simm.s32 $0x4;
	s5 =	sand.u32 $0x1, s5;
	s9 =	sshll.u32 s6, $0x4  }
0xe: {  	s6 =	simm.s32 $0x0;
	s10 =	sshll.u32 s5, $0x3;
	s5 =	ssub.s32 $0x2, s5  }
0xf: {  	[smem:$0x7FF] =	sst s6;
	s9 =	sor.u32 s10, s9;
	s11 =	sshrl.u32 s5, $0x1  }
0x10: {  	s10 =	smul.u32 $0xE, s9;
	s9 =	sshll.u32 s9, $0x2;
	s5 =	ssub.s32 s5, s11  }
0x11: {  	_ =	strace $0x80000047;
	s7 =	sadd.s32 s7, s9;
	s12 =	smax.u32 s5, $0x1  }
0x12: {  	s5 =	simm.s32 $0x0;
	s10 =	sadd.s32 s10, s2;
	s2 =	sadd.s32 s9, s2  }
0x13: {  	[dreg:$0x9] =	wrdreg s7;
	s9 =	sadd.s32 s8, s9;
	s10 =	sadd.s32 $0x800, s10  }
0x14: {  	v0 =	vimm.s32 $0x32;
	v1 =	vimm.s32 $0x63;
	v2 =	vimm.s32 $0x4A;
	s11 =	sadd.s32 $0x1600, s2;
	[dreg:$0x8] =	wrdreg s10;
	s10 =	sadd.s32 $0x1A00, s2  }
.LBB2_1:
0x15: {  	s2 =	rddreg [dreg:$0x8]  }
0x16: {  	[tilespmem:s6], [sflag:$0x5] =	stream.linear.gather [hbm4b:s2+s6], $0x380, $0x38;
	[tilespmem:$0x1580] =	vst v63  }
0x17: {  	_ =	swait.ge [sflag:s13], $0x380  }
0x18: {  	[sflag:s13] =	ssyncset.done $0x0  }
0x19: {  	s7 =	simm.s32 $0x1180;
	s8 =	rddreg [dreg:$0x9];
	[sflag:s13] =	ssyncadd.s32 $0xFFFFFC80  }
0x1a: {  	[tilespmem:s7], [sflag:$0x5] =	stream.linear.gather [hbm4b:s8+s6], $0x100, $0x38;
	[tilespmem:$0x1580] =	vst v63  }
0x1b: {  	_ =	swait.ge [sflag:s13], $0x100  }
0x1c: {  	[sflag:s13] =	ssyncset.done $0x0  }
0x1d: {  	s8 =	simm.s32 $0x1280;
	[sflag:s13] =	ssyncadd.s32 $0xFFFFFF00  }
0x1e: {  	[tilespmem:s8], [sflag:$0x5] =	stream.linear.gather [hbm4b:s9+s6], $0x100, $0x38;
	[tilespmem:$0x1580] =	vst v63  }
0x1f: {  	_ =	swait.ge [sflag:s13], $0x100  }
0x20: {  	[sflag:s13] =	ssyncset.done $0x0  }
0x21: {  	[sflag:s13] =	ssyncadd.s32 $0xFFFFFF00  }
0x22: {  	[tilespmem:s17], [sflag:$0x1] =	stream.indirect.gather [hbm4b:s0+s16], $0x1, s6, s16, $0xb8;
	[tilespmem:$0x1580] =	vst v63  }
0x23: {  	_ = 	snop  }
0x24: {  	[tilespmem:s18], [sflag:$0x2] =	stream.indirect.gather [hbm4b:s1+s16], $0x1, s6, s16, $0xb8;
	[tilespmem:$0x1580] =	vst v63  }
0x25: {  	_ = 	snop  }
0x26: {  	[tilespmem:s19], [sflag:$0x3] =	stream.indirect.gather [hbm4b:s3+s16], $0x1, s6, s16, $0xb8;
	[tilespmem:$0x1580] =	vst v63  }
0x27: {  	_ = 	snop  }
0x28: {  	[tilespmem:s20], [sflag:$0x4] =	stream.indirect.gather [hbm4b:s4+s16], $0x1, s6, s16, $0xb8;
	[tilespmem:$0x1580] =	vst v63  }
0x29: {  	s7 =	simm.s32 $0x3F0  }
0x2a: {  	[tilespmem:s7], [sflag:$0x1] =	stream.indirect.gather [hbm4b:s0+s16], $0x1, s16, s16, $0xb8;
	[tilespmem:$0x1580] =	vst v63  }
0x2b: {  	s8 =	simm.s32 $0x770  }
0x2c: {  	[tilespmem:s8], [sflag:$0x2] =	stream.indirect.gather [hbm4b:s1+s16], $0x1, s16, s16, $0xb8;
	[tilespmem:$0x1580] =	vst v63  }
0x2d: {  	s7 =	simm.s32 $0xAF0  }
0x2e: {  	[tilespmem:s7], [sflag:$0x3] =	stream.indirect.gather [hbm4b:s3+s16], $0x1, s16, s16, $0xb8;
	[tilespmem:$0x1580] =	vst v63  }
0x2f: {  	s8 =	simm.s32 $0xE70  }
0x30: {  	[tilespmem:s8], [sflag:$0x4] =	stream.indirect.gather [hbm4b:s4+s16], $0x1, s16, s16, $0xb8;
	[tilespmem:$0x1580] =	vst v63  }
0x31: {  	s7 =	simm.s32 $0x460  }
0x32: {  	[tilespmem:s7], [sflag:$0x1] =	stream.indirect.gather [hbm4b:s0+s16], $0x1, s25, s16, $0xb8;
	[tilespmem:$0x1580] =	vst v63  }
0x33: {  	s8 =	simm.s32 $0x7E0  }
0x34: {  	[tilespmem:s8], [sflag:$0x2] =	stream.indirect.gather [hbm4b:s1+s16], $0x1, s25, s16, $0xb8;
	[tilespmem:$0x1580] =	vst v63  }
0x35: {  	s7 =	simm.s32 $0xB60  }
0x36: {  	[tilespmem:s7], [sflag:$0x3] =	stream.indirect.gather [hbm4b:s3+s16], $0x1, s25, s16, $0xb8;
	[tilespmem:$0x1580] =	vst v63  }
0x37: {  	s8 =	simm.s32 $0xEE0  }
0x38: {  	[tilespmem:s8], [sflag:$0x4] =	stream.indirect.gather [hbm4b:s4+s16], $0x1, s25, s16, $0xb8;
	[tilespmem:$0x1580] =	vst v63  }
0x39: {  	s7 =	simm.s32 $0x4D0  }
0x3a: {  	[tilespmem:s7], [sflag:$0x1] =	stream.indirect.gather [hbm4b:s0+s16], $0x1, s31, s16, $0xb8;
	[tilespmem:$0x1580] =	vst v63  }
0x3b: {  	s8 =	simm.s32 $0x850  }
0x3c: {  	[tilespmem:s8], [sflag:$0x2] =	stream.indirect.gather [hbm4b:s1+s16], $0x1, s31, s16, $0xb8;
	[tilespmem:$0x1580] =	vst v63  }
0x3d: {  	s7 =	simm.s32 $0xBD0  }
0x3e: {  	[tilespmem:s7], [sflag:$0x3] =	stream.indirect.gather [hbm4b:s3+s16], $0x1, s31, s16, $0xb8;
	[tilespmem:$0x1580] =	vst v63  }
0x3f: {  	s8 =	simm.s32 $0xF50  }
0x40: {  	[tilespmem:s8], [sflag:$0x4] =	stream.indirect.gather [hbm4b:s4+s16], $0x1, s31, s16, $0xb8;
	[tilespmem:$0x1580] =	vst v63  }
0x41: {  	s7 =	simm.s32 $0x540  }
0x42: {  	[tilespmem:s7], [sflag:$0x1] =	stream.indirect.gather [hbm4b:s0+s16], $0x1, s21, s16, $0xb8;
	[tilespmem:$0x1580] =	vst v63  }
0x43: {  	s8 =	simm.s32 $0x8C0  }
0x44: {  	[tilespmem:s8], [sflag:$0x2] =	stream.indirect.gather [hbm4b:s1+s16], $0x1, s21, s16, $0xb8;
	[tilespmem:$0x1580] =	vst v63  }
0x45: {  	s7 =	simm.s32 $0xC40  }
0x46: {  	[tilespmem:s7], [sflag:$0x3] =	stream.indirect.gather [hbm4b:s3+s16], $0x1, s21, s16, $0xb8;
	[tilespmem:$0x1580] =	vst v63  }
0x47: {  	s8 =	simm.s32 $0xFC0  }
0x48: {  	[tilespmem:s8], [sflag:$0x4] =	stream.indirect.gather [hbm4b:s4+s16], $0x1, s21, s16, $0xb8;
	[tilespmem:$0x1580] =	vst v63  }
0x49: {  	s7 =	simm.s32 $0x5B0  }
0x4a: {  	[tilespmem:s7], [sflag:$0x1] =	stream.indirect.gather [hbm4b:s0+s16], $0x1, s28, s16, $0xb8;
	[tilespmem:$0x1580] =	vst v63  }
0x4b: {  	s8 =	simm.s32 $0x930  }
0x4c: {  	[tilespmem:s8], [sflag:$0x2] =	stream.indirect.gather [hbm4b:s1+s16], $0x1, s28, s16, $0xb8;
	[tilespmem:$0x1580] =	vst v63  }
0x4d: {  	s7 =	simm.s32 $0xCB0  }
0x4e: {  	[tilespmem:s7], [sflag:$0x3] =	stream.indirect.gather [hbm4b:s3+s16], $0x1, s28, s16, $0xb8;
	[tilespmem:$0x1580] =	vst v63  }
0x4f: {  	s8 =	simm.s32 $0x1030  }
0x50: {  	[tilespmem:s8], [sflag:$0x4] =	stream.indirect.gather [hbm4b:s4+s16], $0x1, s28, s16, $0xb8;
	[tilespmem:$0x1580] =	vst v63  }
0x51: {  	s7 =	simm.s32 $0x620  }
0x52: {  	[tilespmem:s7], [sflag:$0x1] =	stream.indirect.gather [hbm4b:s0+s16], $0x1, s14, s16, $0xb8;
	[tilespmem:$0x1580] =	vst v63  }
0x53: {  	s8 =	simm.s32 $0x9A0  }
0x54: {  	[tilespmem:s8], [sflag:$0x2] =	stream.indirect.gather [hbm4b:s1+s16], $0x1, s14, s16, $0xb8;
	[tilespmem:$0x1580] =	vst v63  }
0x55: {  	s7 =	simm.s32 $0xD20  }
0x56: {  	[tilespmem:s7], [sflag:$0x3] =	stream.indirect.gather [hbm4b:s3+s16], $0x1, s14, s16, $0xb8;
	[tilespmem:$0x1580] =	vst v63  }
0x57: {  	s8 =	simm.s32 $0x10A0  }
0x58: {  	[tilespmem:s8], [sflag:$0x4] =	stream.indirect.gather [hbm4b:s4+s16], $0x1, s14, s16, $0xb8;
	[tilespmem:$0x1580] =	vst v63  }
0x59: {  	s7 =	simm.s32 $0x690  }
0x5a: {  	[tilespmem:s7], [sflag:$0x1] =	stream.indirect.gather [hbm4b:s0+s16], $0x1, s26, s16, $0xb8;
	[tilespmem:$0x1580] =	vst v63  }
0x5b: {  	s8 =	simm.s32 $0xA10  }
0x5c: {  	[tilespmem:s8], [sflag:$0x2] =	stream.indirect.gather [hbm4b:s1+s16], $0x1, s26, s16, $0xb8;
	[tilespmem:$0x1580] =	vst v63  }
0x5d: {  	s7 =	simm.s32 $0xD90  }
0x5e: {  	[tilespmem:s7], [sflag:$0x3] =	stream.indirect.gather [hbm4b:s3+s16], $0x1, s26, s16, $0xb8;
	[tilespmem:$0x1580] =	vst v63  }
0x5f: {  	s8 =	simm.s32 $0x1110  }
0x60: {  	[tilespmem:s8], [sflag:$0x4] =	stream.indirect.gather [hbm4b:s4+s16], $0x1, s26, s16, $0xb8;
	[tilespmem:$0x1580] =	vst v63  }
0x61: {  	_ =	swait.ge [sflag:s15], $0x70  }
0x62: {  	[sflag:s15] =	ssyncset.done $0x0  }
0x63: {  	[sflag:s15] =	ssyncadd.s32 $0xFFFFFF90  }
0x64: {  	_ =	swait.ge [sflag:s22], $0x70  }
0x65: {  	[sflag:s22] =	ssyncset.done $0x0  }
0x66: {  	[sflag:s22] =	ssyncadd.s32 $0xFFFFFF90  }
0x67: {  	_ =	swait.ge [sflag:s23], $0x70  }
0x68: {  	[sflag:s23] =	ssyncset.done $0x0  }
0x69: {  	[sflag:s23] =	ssyncadd.s32 $0xFFFFFF90  }
0x6a: {  	_ =	swait.ge [sflag:s24], $0x70  }
0x6b: {  	[sflag:s24] =	ssyncset.done $0x0  }
0x6c: {  	[sflag:s24] =	ssyncadd.s32 $0xFFFFFF90  }
0x6d: {  	_ =	swait.ge [sflag:s15], $0x70  }
0x6e: {  	[sflag:s15] =	ssyncset.done $0x0  }
0x6f: {  	[sflag:s15] =	ssyncadd.s32 $0xFFFFFF90  }
0x70: {  	_ =	swait.ge [sflag:s22], $0x70  }
0x71: {  	[sflag:s22] =	ssyncset.done $0x0  }
0x72: {  	[sflag:s22] =	ssyncadd.s32 $0xFFFFFF90  }
0x73: {  	_ =	swait.ge [sflag:s23], $0x70  }
0x74: {  	[sflag:s23] =	ssyncset.done $0x0  }
0x75: {  	[sflag:s23] =	ssyncadd.s32 $0xFFFFFF90  }
0x76: {  	_ =	swait.ge [sflag:s24], $0x70  }
0x77: {  	[sflag:s24] =	ssyncset.done $0x0  }
0x78: {  	[sflag:s24] =	ssyncadd.s32 $0xFFFFFF90  }
0x79: {  	_ =	swait.ge [sflag:s15], $0x70  }
0x7a: {  	[sflag:s15] =	ssyncset.done $0x0  }
0x7b: {  	[sflag:s15] =	ssyncadd.s32 $0xFFFFFF90  }
0x7c: {  	_ =	swait.ge [sflag:s22], $0x70  }
0x7d: {  	[sflag:s22] =	ssyncset.done $0x0  }
0x7e: {  	[sflag:s22] =	ssyncadd.s32 $0xFFFFFF90  }
0x7f: {  	_ =	swait.ge [sflag:s23], $0x70  }
0x80: {  	[sflag:s23] =	ssyncset.done $0x0  }
0x81: {  	[sflag:s23] =	ssyncadd.s32 $0xFFFFFF90  }
0x82: {  	_ =	swait.ge [sflag:s24], $0x70  }
0x83: {  	[sflag:s24] =	ssyncset.done $0x0  }
0x84: {  	[sflag:s24] =	ssyncadd.s32 $0xFFFFFF90  }
0x85: {  	_ =	swait.ge [sflag:s15], $0x70  }
0x86: {  	[sflag:s15] =	ssyncset.done $0x0  }
0x87: {  	[sflag:s15] =	ssyncadd.s32 $0xFFFFFF90  }
0x88: {  	_ =	swait.ge [sflag:s22], $0x70  }
0x89: {  	[sflag:s22] =	ssyncset.done $0x0  }
0x8a: {  	[sflag:s22] =	ssyncadd.s32 $0xFFFFFF90  }
0x8b: {  	_ =	swait.ge [sflag:s23], $0x70  }
0x8c: {  	[sflag:s23] =	ssyncset.done $0x0  }
0x8d: {  	[sflag:s23] =	ssyncadd.s32 $0xFFFFFF90  }
0x8e: {  	_ =	swait.ge [sflag:s24], $0x70  }
0x8f: {  	[sflag:s24] =	ssyncset.done $0x0  }
0x90: {  	[sflag:s24] =	ssyncadd.s32 $0xFFFFFF90  }
0x91: {  	_ =	swait.ge [sflag:s15], $0x70  }
0x92: {  	[sflag:s15] =	ssyncset.done $0x0  }
0x93: {  	[sflag:s15] =	ssyncadd.s32 $0xFFFFFF90  }
0x94: {  	_ =	swait.ge [sflag:s22], $0x70  }
0x95: {  	[sflag:s22] =	ssyncset.done $0x0  }
0x96: {  	[sflag:s22] =	ssyncadd.s32 $0xFFFFFF90  }
0x97: {  	_ =	swait.ge [sflag:s23], $0x70  }
0x98: {  	[sflag:s23] =	ssyncset.done $0x0  }
0x99: {  	[sflag:s23] =	ssyncadd.s32 $0xFFFFFF90  }
0x9a: {  	_ =	swait.ge [sflag:s24], $0x70  }
0x9b: {  	[sflag:s24] =	ssyncset.done $0x0  }
0x9c: {  	[sflag:s24] =	ssyncadd.s32 $0xFFFFFF90  }
0x9d: {  	_ =	swait.ge [sflag:s15], $0x70  }
0x9e: {  	[sflag:s15] =	ssyncset.done $0x0  }
0x9f: {  	[sflag:s15] =	ssyncadd.s32 $0xFFFFFF90  }
0xa0: {  	_ =	swait.ge [sflag:s22], $0x70  }
0xa1: {  	[sflag:s22] =	ssyncset.done $0x0  }
0xa2: {  	[sflag:s22] =	ssyncadd.s32 $0xFFFFFF90  }
0xa3: {  	_ =	swait.ge [sflag:s23], $0x70  }
0xa4: {  	[sflag:s23] =	ssyncset.done $0x0  }
0xa5: {  	[sflag:s23] =	ssyncadd.s32 $0xFFFFFF90  }
0xa6: {  	_ =	swait.ge [sflag:s24], $0x70  }
0xa7: {  	[sflag:s24] =	ssyncset.done $0x0  }
0xa8: {  	[sflag:s24] =	ssyncadd.s32 $0xFFFFFF90  }
0xa9: {  	_ =	swait.ge [sflag:s15], $0x70  }
0xaa: {  	[sflag:s15] =	ssyncset.done $0x0  }
0xab: {  	[sflag:s15] =	ssyncadd.s32 $0xFFFFFF90  }
0xac: {  	_ =	swait.ge [sflag:s22], $0x70  }
0xad: {  	[sflag:s22] =	ssyncset.done $0x0  }
0xae: {  	[sflag:s22] =	ssyncadd.s32 $0xFFFFFF90  }
0xaf: {  	_ =	swait.ge [sflag:s23], $0x70  }
0xb0: {  	[sflag:s23] =	ssyncset.done $0x0  }
0xb1: {  	[sflag:s23] =	ssyncadd.s32 $0xFFFFFF90  }
0xb2: {  	_ =	swait.ge [sflag:s24], $0x70  }
0xb3: {  	[sflag:s24] =	ssyncset.done $0x0  }
0xb4: {  	[sflag:s24] =	ssyncadd.s32 $0xFFFFFF90  }
0xb5: {  	_ =	swait.ge [sflag:s15], $0x70  }
0xb6: {  	[sflag:s15] =	ssyncset.done $0x0  }
0xb7: {  	[sflag:s15] =	ssyncadd.s32 $0xFFFFFF90  }
0xb8: {  	_ =	swait.ge [sflag:s22], $0x70  }
0xb9: {  	[sflag:s22] =	ssyncset.done $0x0  }
0xba: {  	[sflag:s22] =	ssyncadd.s32 $0xFFFFFF90  }
0xbb: {  	_ =	swait.ge [sflag:s23], $0x70  }
0xbc: {  	[sflag:s23] =	ssyncset.done $0x0  }
0xbd: {  	[sflag:s23] =	ssyncadd.s32 $0xFFFFFF90  }
0xbe: {  	s29 =	simm.s32 $0x1390;
	_ =	swait.ge [sflag:s24], $0x70  }
0xbf: {  	s30 =	simm.s32 $0x1490;
	s2 =	simm.s32 $0x1290;
	[sflag:s24] =	ssyncset.done $0x0  }
0xc0: {  	s7 =	simm.s32 $0x1190;
	s8 =	simm.s32 $0x0;
	[sflag:s24] =	ssyncadd.s32 $0xFFFFFF90  }
.LBB2_2:
0xc1: {  	v3 =	vmov s8  }
0xc2: {  	v3 =	vmul.u32 $0x70, v3;
	_ =	sdelay $0x1  }
0xc3: {  	v3 =	vbroadcast v3, $0x0;
	_ =	sdelay $0x1  }
0xc4: {  	v4 =	vadd.s32 $0x31, v3;
	_ =	sdelay $0x2  }
0xc5: {  	v5 =	vld [tilespmem:s7+$0xFFFFFFF0]  }
0xc6: {  	v6 =	vld [tilespmem:s2+$0xFFFFFFF0]  }
0xc7: {  	v7 =	vld.idx.msk [tilespmem:v4+s18+$0x0], $0xffff  }
0xc8: {  	v8 =	vld.idx.msk [tilespmem:v4+s17+$0x0], $0xffff;
	_ =	sdelay $0x3  }
0xc9: {  	vm0 =	vlt.f32 v7, v6  }
0xca: {  	vm1 =	vlt.f32 v8, v5;
	vm2 =	vne.f32 v8, v5;
	vm0 =	vmneg vm0  }
0xcb: {  	vm1 =	vmneg vm1;
	vm0 =	vmor vm2, vm0  }
0xcc: {  	vm0 =	vmand vm1, vm0  }
0xcd: {  	v22 =	vsel vm0, $0x18, v2  }
0xce: {  	v23 =	vand.u32 $0x58, v22  }
0xcf: {  	v9 =	vand.u32 $0x2, v22;
	v8 =	vadd.s32 v3, v23  }
0xd0: {  	v8 =	vor.u32 v9, v8;
	_ =	sdelay $0x4  }
0xd1: {  	v9 =	vld.idx.msk [tilespmem:v8+s18+$0x0], $0xffff  }
0xd2: {  	v8 =	vld.idx.msk [tilespmem:v8+s17+$0x0], $0xffff;
	_ =	sdelay $0x3  }
0xd3: {  	vm14 =	vlt.f32 v9, v6  }
0xd4: {  	vm15 =	vlt.f32 v8, v5;
	vm3 =	vne.f32 v8, v5;
	vm1 =	vmneg vm14  }
0xd5: {  	vm2 =	vmneg vm15;
	vm1 =	vmor vm3, vm1  }
0xd6: {  	v24 =	vsel vm0, $0x31, v1;
	vm1 =	vmand vm2, vm1  }
0xd7: {  	v25 =	vsel vm0, $0x0, v0;
	v10 =	vor.u32 $0x1, v22;
	v7 =	vsel vm1, v22, v24  }
0xd8: {  	v26 =	vsel vm1, v25, v10;
	v27 =	vadd.s32 $0xFFFFFFFF, v7  }
0xd9: {  	v10 =	vxor.u32 v27, v26  }
0xda: {  	v9 =	vor.u32 v27, v26;
	v10 =	vshrl.u32 v10, $0x1  }
0xdb: {  	v9 =	vsub.s32 v9, v10  }
0xdc: {  	v10 =	vand.u32 $0x78, v9  }
0xdd: {  	v11 =	vand.u32 $0x7, v9;
	v10 =	vadd.s32 v3, v10  }
0xde: {  	v10 =	vor.u32 v11, v10;
	_ =	sdelay $0x4  }
0xdf: {  	v11 =	vld.idx.msk [tilespmem:v10+s17+$0x0], $0xffff  }
0xe0: {  	v10 =	vld.idx.msk [tilespmem:v10+s18+$0x0], $0xffff;
	_ =	sdelay $0x4  }
0xe1: {  	vm4 =	veq.f32 v11, v5;
	vm5 =	vlt.f32 v10, v6  }
0xe2: {  	vm6 =	vlt.f32 v11, v5;
	vm0 =	vmand vm4, vm5  }
0xe3: {  	vm0 =	vmor vm6, vm0  }
0xe4: {  	vm7 =	vlt.u32 v26, v7;
	vm2 =	vmneg vm0  }
0xe5: {  	v28 =	vadd.s32 $0x1, v9;
	vm0 =	vmand vm7, vm0;
	vm1 =	vmand vm7, vm2  }
0xe6: {  	v8 =	vsel vm0, v28, v26;
	v7 =	vsel vm1, v9, v7  }
0xe7: {  	v9 =	vxor.u32 v7, v8  }
0xe8: {  	v10 =	vand.u32 v7, v8;
	v9 =	vshrl.u32 v9, $0x1  }
0xe9: {  	v9 =	vadd.s32 v9, v10  }
0xea: {  	v10 =	vand.u32 $0x7FFFFFF8, v9  }
0xeb: {  	v29 =	vand.u32 $0x7, v9;
	v10 =	vadd.s32 v3, v10  }
0xec: {  	v10 =	vor.u32 v29, v10;
	_ =	sdelay $0x4  }
0xed: {  	v11 =	vld.idx.msk [tilespmem:v10+s17+$0x0], $0xffff  }
0xee: {  	v10 =	vld.idx.msk [tilespmem:v10+s18+$0x0], $0xffff;
	_ =	sdelay $0x4  }
0xef: {  	vm8 =	veq.f32 v11, v5;
	vm9 =	vlt.f32 v10, v6  }
0xf0: {  	vm10 =	vlt.f32 v11, v5;
	vm0 =	vmand vm8, vm9  }
0xf1: {  	vm0 =	vmor vm10, vm0  }
0xf2: {  	vm11 =	vlt.u32 v8, v7;
	vm2 =	vmneg vm0  }
0xf3: {  	v30 =	vadd.s32 $0x1, v9;
	vm0 =	vmand vm0, vm11;
	vm1 =	vmand vm11, vm2  }
0xf4: {  	v8 =	vsel vm0, v30, v8;
	v7 =	vsel vm1, v9, v7  }
0xf5: {  	v9 =	vadd.s32 v7, v8  }
0xf6: {  	v9 =	vshrl.u32 v9, $0x1  }
0xf7: {  	v31 =	vand.u32 $0x7FFFFFF8, v9  }
0xf8: {  	v32 =	vand.u32 $0x7, v9;
	v10 =	vadd.s32 v3, v31  }
0xf9: {  	v10 =	vor.u32 v32, v10;
	_ =	sdelay $0x4  }
0xfa: {  	v11 =	vld.idx.msk [tilespmem:v10+s17+$0x0], $0xffff  }
0xfb: {  	v10 =	vld.idx.msk [tilespmem:v10+s18+$0x0], $0xffff;
	_ =	sdelay $0x4  }
0xfc: {  	vm12 =	veq.f32 v11, v5;
	vm13 =	vlt.f32 v10, v6  }
0xfd: {  	vm14 =	vlt.f32 v11, v5;
	vm0 =	vmand vm12, vm13  }
0xfe: {  	vm0 =	vmor vm14, vm0  }
0xff: {  	vm15 =	vlt.u32 v8, v7;
	vm2 =	vmneg vm0  }
0x100: {  	v33 =	vadd.s32 $0x1, v9;
	vm0 =	vmand vm0, vm15;
	vm1 =	vmand vm15, vm2  }
0x101: {  	v8 =	vsel vm0, v33, v8;
	v7 =	vsel vm1, v9, v7  }
0x102: {  	v9 =	vadd.s32 v7, v8  }
0x103: {  	v9 =	vshrl.u32 v9, $0x1  }
0x104: {  	v34 =	vand.u32 $0x7FFFFFF8, v9  }
0x105: {  	v35 =	vand.u32 $0x7, v9;
	v10 =	vadd.s32 v3, v34  }
0x106: {  	v10 =	vor.u32 v35, v10;
	_ =	sdelay $0x4  }
0x107: {  	v11 =	vld.idx.msk [tilespmem:v10+s17+$0x0], $0xffff  }
0x108: {  	v10 =	vld.idx.msk [tilespmem:v10+s18+$0x0], $0xffff;
	_ =	sdelay $0x4  }
0x109: {  	vm4 =	veq.f32 v11, v5;
	vm5 =	vlt.f32 v10, v6  }
0x10a: {  	vm6 =	vlt.f32 v11, v5;
	vm0 =	vmand vm4, vm5  }
0x10b: {  	vm0 =	vmor vm6, vm0  }
0x10c: {  	vm7 =	vlt.u32 v8, v7;
	vm2 =	vmneg vm0  }
0x10d: {  	v36 =	vadd.s32 $0x1, v9;
	vm0 =	vmand vm0, vm7;
	vm1 =	vmand vm7, vm2  }
0x10e: {  	v8 =	vsel vm0, v36, v8;
	v7 =	vsel vm1, v9, v7  }
0x10f: {  	v9 =	vadd.s32 v7, v8  }
0x110: {  	v9 =	vshrl.u32 v9, $0x1  }
0x111: {  	v37 =	vand.u32 $0x7FFFFFF8, v9  }
0x112: {  	v38 =	vand.u32 $0x7, v9;
	v10 =	vadd.s32 v3, v37  }
0x113: {  	v10 =	vor.u32 v38, v10;
	_ =	sdelay $0x4  }
0x114: {  	v11 =	vld.idx.msk [tilespmem:v10+s17+$0x0], $0xffff  }
0x115: {  	v10 =	vld.idx.msk [tilespmem:v10+s18+$0x0], $0xffff;
	_ =	sdelay $0x4  }
0x116: {  	vm8 =	veq.f32 v11, v5;
	vm9 =	vlt.f32 v10, v6  }
0x117: {  	vm10 =	vlt.f32 v11, v5;
	vm0 =	vmand vm8, vm9  }
0x118: {  	vm11 =	vlt.u32 v8, v7;
	vm0 =	vmor vm10, vm0  }
0x119: {  	v39 =	vadd.s32 $0x1, v9;
	vm0 =	vmand vm0, vm11  }
0x11a: {  	v5 =	vsel vm0, v39, v8  }
0x11b: {  	v40 =	vand.u32 $0xFFFFFFF8, v5  }
0x11c: {  	v5 =	vand.u32 $0x7, v5;
	v6 =	vadd.s32 v3, v40  }
0x11d: {  	v5 =	vor.u32 v5, v6;
	_ =	sdelay $0x4  }
0x11e: {  	v6 =	vld.idx.msk [tilespmem:v5+s19+$0x0], $0xffff;
	_ =	sdelay $0x4  }
0x11f: {  	[tilespmem:s29+$0xFFFFFFF0] =	vst v6  }
0x120: {  	v5 =	vld.idx.msk [tilespmem:v5+s20+$0x0], $0xffff;
	_ =	sdelay $0x4  }
0x121: {  	[tilespmem:s30+$0xFFFFFFF0] =	vst v5  }
0x122: {  	v5 =	vld [tilespmem:s7+$0x0]  }
0x123: {  	v6 =	vld [tilespmem:s2+$0x0]  }
0x124: {  	v41 =	vld.idx.msk [tilespmem:v4+s18+$0x0], $0xffff  }
0x125: {  	v4 =	vld.idx.msk [tilespmem:v4+s17+$0x0], $0xffff;
	_ =	sdelay $0x3  }
0x126: {  	vm12 =	vlt.f32 v41, v6  }
0x127: {  	vm13 =	vlt.f32 v4, v5;
	vm14 =	vne.f32 v4, v5;
	vm0 =	vmneg vm12  }
0x128: {  	vm1 =	vmneg vm13;
	vm0 =	vmor vm14, vm0  }
0x129: {  	vm0 =	vmand vm1, vm0  }
0x12a: {  	v42 =	vsel vm0, $0x18, v2  }
0x12b: {  	v43 =	vand.u32 $0x58, v42  }
0x12c: {  	v44 =	vand.u32 $0x2, v42;
	v7 =	vadd.s32 v3, v43  }
0x12d: {  	v7 =	vor.u32 v44, v7;
	_ =	sdelay $0x4  }
0x12e: {  	v8 =	vld.idx.msk [tilespmem:v7+s18+$0x0], $0xffff  }
0x12f: {  	v7 =	vld.idx.msk [tilespmem:v7+s17+$0x0], $0xffff;
	_ =	sdelay $0x3  }
0x130: {  	vm15 =	vlt.f32 v8, v6  }
0x131: {  	vm6 =	vlt.f32 v7, v5;
	vm7 =	vne.f32 v7, v5;
	vm1 =	vmneg vm15  }
0x132: {  	vm2 =	vmneg vm6;
	vm1 =	vmor vm7, vm1  }
0x133: {  	v45 =	vsel vm0, $0x31, v1;
	vm1 =	vmand vm2, vm1  }
0x134: {  	v46 =	vsel vm0, $0x0, v0;
	v47 =	vor.u32 $0x1, v42;
	v4 =	vsel vm1, v42, v45  }
0x135: {  	v48 =	vsel vm1, v46, v47;
	v49 =	vadd.s32 $0xFFFFFFFF, v4  }
0x136: {  	v9 =	vxor.u32 v49, v48  }
0x137: {  	v8 =	vor.u32 v49, v48;
	v9 =	vshrl.u32 v9, $0x1  }
0x138: {  	v8 =	vsub.s32 v8, v9  }
0x139: {  	v9 =	vand.u32 $0x78, v8  }
0x13a: {  	v50 =	vand.u32 $0x7, v8;
	v9 =	vadd.s32 v3, v9  }
0x13b: {  	v9 =	vor.u32 v50, v9;
	_ =	sdelay $0x4  }
0x13c: {  	v10 =	vld.idx.msk [tilespmem:v9+s17+$0x0], $0xffff  }
0x13d: {  	v9 =	vld.idx.msk [tilespmem:v9+s18+$0x0], $0xffff;
	_ =	sdelay $0x4  }
0x13e: {  	vm8 =	veq.f32 v10, v5;
	vm9 =	vlt.f32 v9, v6  }
0x13f: {  	vm10 =	vlt.f32 v10, v5;
	vm0 =	vmand vm8, vm9  }
0x140: {  	vm0 =	vmor vm10, vm0  }
0x141: {  	vm11 =	vlt.u32 v48, v4;
	vm2 =	vmneg vm0  }
0x142: {  	v51 =	vadd.s32 $0x1, v8;
	vm0 =	vmand vm11, vm0;
	vm1 =	vmand vm11, vm2  }
0x143: {  	v7 =	vsel vm0, v51, v48;
	v4 =	vsel vm1, v8, v4  }
0x144: {  	v8 =	vxor.u32 v4, v7  }
0x145: {  	v9 =	vand.u32 v4, v7;
	v8 =	vshrl.u32 v8, $0x1  }
0x146: {  	v8 =	vadd.s32 v8, v9  }
0x147: {  	v9 =	vand.u32 $0x7FFFFFF8, v8  }
0x148: {  	v52 =	vand.u32 $0x7, v8;
	v9 =	vadd.s32 v3, v9  }
0x149: {  	v9 =	vor.u32 v52, v9;
	_ =	sdelay $0x4  }
0x14a: {  	v10 =	vld.idx.msk [tilespmem:v9+s17+$0x0], $0xffff  }
0x14b: {  	v9 =	vld.idx.msk [tilespmem:v9+s18+$0x0], $0xffff;
	_ =	sdelay $0x4  }
0x14c: {  	vm12 =	veq.f32 v10, v5;
	vm13 =	vlt.f32 v9, v6  }
0x14d: {  	vm14 =	vlt.f32 v10, v5;
	vm0 =	vmand vm12, vm13  }
0x14e: {  	vm0 =	vmor vm14, vm0  }
0x14f: {  	vm15 =	vlt.u32 v7, v4;
	vm2 =	vmneg vm0  }
0x150: {  	v53 =	vadd.s32 $0x1, v8;
	vm0 =	vmand vm0, vm15;
	vm1 =	vmand vm15, vm2  }
0x151: {  	v7 =	vsel vm0, v53, v7;
	v4 =	vsel vm1, v8, v4  }
0x152: {  	v8 =	vadd.s32 v4, v7  }
0x153: {  	v8 =	vshrl.u32 v8, $0x1  }
0x154: {  	v54 =	vand.u32 $0x7FFFFFF8, v8  }
0x155: {  	v55 =	vand.u32 $0x7, v8;
	v9 =	vadd.s32 v3, v54  }
0x156: {  	v9 =	vor.u32 v55, v9;
	_ =	sdelay $0x4  }
0x157: {  	v10 =	vld.idx.msk [tilespmem:v9+s17+$0x0], $0xffff  }
0x158: {  	v9 =	vld.idx.msk [tilespmem:v9+s18+$0x0], $0xffff;
	_ =	sdelay $0x4  }
0x159: {  	vm4 =	veq.f32 v10, v5;
	vm5 =	vlt.f32 v9, v6  }
0x15a: {  	vm6 =	vlt.f32 v10, v5;
	vm0 =	vmand vm4, vm5  }
0x15b: {  	vm0 =	vmor vm6, vm0  }
0x15c: {  	vm7 =	vlt.u32 v7, v4;
	vm2 =	vmneg vm0  }
0x15d: {  	v56 =	vadd.s32 $0x1, v8;
	vm0 =	vmand vm0, vm7;
	vm1 =	vmand vm7, vm2  }
0x15e: {  	v7 =	vsel vm0, v56, v7;
	v4 =	vsel vm1, v8, v4  }
0x15f: {  	v8 =	vadd.s32 v4, v7  }
0x160: {  	v8 =	vshrl.u32 v8, $0x1  }
0x161: {  	v57 =	vand.u32 $0x7FFFFFF8, v8  }
0x162: {  	v58 =	vand.u32 $0x7, v8;
	v9 =	vadd.s32 v3, v57  }
0x163: {  	v9 =	vor.u32 v58, v9;
	_ =	sdelay $0x4  }
0x164: {  	v10 =	vld.idx.msk [tilespmem:v9+s17+$0x0], $0xffff  }
0x165: {  	v9 =	vld.idx.msk [tilespmem:v9+s18+$0x0], $0xffff;
	_ =	sdelay $0x4  }
0x166: {  	vm8 =	veq.f32 v10, v5;
	vm9 =	vlt.f32 v9, v6  }
0x167: {  	vm10 =	vlt.f32 v10, v5;
	vm0 =	vmand vm8, vm9  }
0x168: {  	vm0 =	vmor vm10, vm0  }
0x169: {  	vm11 =	vlt.u32 v7, v4;
	vm2 =	vmneg vm0  }
0x16a: {  	v59 =	vadd.s32 $0x1, v8;
	vm0 =	vmand vm0, vm11;
	vm1 =	vmand vm11, vm2  }
0x16b: {  	v7 =	vsel vm0, v59, v7;
	v4 =	vsel vm1, v8, v4  }
0x16c: {  	v8 =	vadd.s32 v4, v7  }
0x16d: {  	v8 =	vshrl.u32 v8, $0x1  }
0x16e: {  	v60 =	vand.u32 $0x7FFFFFF8, v8  }
0x16f: {  	v61 =	vand.u32 $0x7, v8;
	v9 =	vadd.s32 v3, v60  }
0x170: {  	v9 =	vor.u32 v61, v9;
	_ =	sdelay $0x4  }
0x171: {  	v10 =	vld.idx.msk [tilespmem:v9+s17+$0x0], $0xffff  }
0x172: {  	v9 =	vld.idx.msk [tilespmem:v9+s18+$0x0], $0xffff;
	_ =	sdelay $0x4  }
0x173: {  	vm12 =	veq.f32 v10, v5;
	vm13 =	vlt.f32 v9, v6  }
0x174: {  	vm14 =	vlt.f32 v10, v5;
	vm0 =	vmand vm12, vm13  }
0x175: {  	vm15 =	vlt.u32 v7, v4;
	vm0 =	vmor vm14, vm0  }
0x176: {  	v62 =	vadd.s32 $0x1, v8;
	vm0 =	vmand vm0, vm15  }
0x177: {  	v4 =	vsel vm0, v62, v7  }
0x178: {  	v63 =	vand.u32 $0xFFFFFFF8, v4  }
0x179: {  	v4 =	vand.u32 $0x7, v4;
	v3 =	vadd.s32 v3, v63  }
0x17a: {  	v3 =	vor.u32 v4, v3;
	_ =	sdelay $0x4  }
0x17b: {  	v4 =	vld.idx.msk [tilespmem:v3+s19+$0x0], $0xffff;
	_ =	sdelay $0x4  }
0x17c: {  	[tilespmem:s29+$0x0] =	vst v4  }
0x17d: {  	p0 =	sne.s32 s8, $0x7;
	v3 =	vld.idx.msk [tilespmem:v3+s20+$0x0], $0xffff  }
.Ltmp0:
0x17e: {  	_ = 	snop;
	(pc) =	sbr.rel @p0 .LBB2_2-.Ltmp0, $3  }
0x17f: {  	_ =	sdelay $0x1  }
0x180: {  	s8 =	sadd.s32 $0x1, s8;
	s2 =	sadd.s32 $0x20, s2  }
0x181: {  	s7 =	sadd.s32 $0x20, s7;
	s29 =	sadd.s32 $0x20, s29;
	[tilespmem:s30+$0x0] =	vst v3;
	s30 =	sadd.s32 $0x20, s30  }
0x182: {  	s2 =	simm.s32 $0x1380  }
0x183: {  	[hbm4b:s10+s6] =	stream.linear.scatter [tilespmem:s2], [sflag:$0x5], $0x100, $0x38;
	[tilespmem:$0x1580] =	vst v63  }
0x184: {  	s5 =	sadd.s32 $0x1, s5;
	_ =	swait.ge [sflag:s13], $0x100  }
0x185: {  	p0 =	sne.s32 s5, s12;
	[sflag:s13] =	ssyncset.done $0x0  }
.Ltmp1:
0x186: {  	s30 =	simm.s32 $0x1480;
	[sflag:s13] =	ssyncadd.s32 $0xFFFFFF00;
	(pc) =	sbr.rel @p0 .LBB2_1-.Ltmp1, $4  }
0x187: {  	[hbm4b:s11+s6] =	stream.linear.scatter [tilespmem:s30], [sflag:$0x5], $0x100, $0x38;
	[tilespmem:$0x1580] =	vst v63  }
0x188: {  	_ =	swait.ge [sflag:s13], $0x100  }
0x189: {  	[sflag:s13] =	ssyncset.done $0x0  }
0x18a: {  	[sflag:s13] =	ssyncadd.s32 $0xFFFFFF00  }
0x18b: {  	_ =	sfence.sel $0x180000  }
0x18c: {  	[bflag:$0x0] =	sbarrier.arrive $0xFFFF  }
0x18d: {  	_ =	strace $0x90000047  }
0x18e: {  	s0 =	stileid.u32;
	[bflag:$0x2] =	sbarrier.arrive $0xFFFF  }
0x18f: {  	p0 =	sne.s32 s0, $0x0;
	s0 =	rddreg [dreg:$0x7]  }
0x190: {  	s0 =	sadd.s32 @!p0 $0x100000, s0  }
0x191: {  	[sflag:s0] =	ssyncadd.tile.s32 @!p0 $0x1;
	_ =	shalt  }
.Lfunc_end2:
_tile_overlayer_lowered:
.L_overlay_start_2:
0x192: {  	(tag) =	ssettag $0x2  }
0x193: {  	s0 =	rddreg [dreg:$0x0];
	s2 =	stileid.u32  }
0x194: {  	s1 =	rddreg [dreg:$0x1];
	p0 =	sne.s32 s2, $0x0  }
0x195: {  	s3 =	rddreg [dreg:$0x2];
	[bflag:$0x3] =	sbarrier.arrive $0xFFFF;
	s2 =	simm.s32 @!p0 $0x1C05  }
0x196: {  	[timem:s3], [sflag:s2] =	dma.local @!p0 [hbm:s0], s1  }
0x197: {  	s0 =	simm.s32 @!p0 $0x5  }
0x198: {  	_ =	swait.ge @!p0 [sflag:s0], s1  }
0x199: {  	s1 =	ssub.s32 @!p0 $0x0, s1;
	[sflag:s0] =	ssyncset.done @!p0 $0x0  }
0x19a: {  	[sflag:s0] =	ssyncadd.s32 @!p0 s1  }
0x19b: {  	[bflag:$0x3] =	sbarrier.arrive $0xFFFF  }
0x19c: {  	_ =	shalt  }

</sc_bundles>
